<compile_context>
chip_gen: v7x
topology: tpu7x:2x2x1
jax: 0.10.2.dev20260603
libtpu: 0.0.44.dev20260713+nightly
codegen_flags: <defaults>
</compile_context>

<pallas_src>
import functools

import jax
import jax.numpy as jnp
from jax import lax
from jax.experimental import pallas as pl
from jax.experimental.pallas import tpu as pltpu
from jax.experimental.pallas import tpu_sc as plsc

N_FEATURES = 1024
BATCH = 16384
NC = 2
NS = 16
L = 16
NW = NC * NS
ROWS_PER_W = BATCH // NW
R = 8
NBLK = ROWS_PER_W // R
NG = N_FEATURES // L
NBUF = 4


def _permute_kernel(x_hbm, idx_hbm, out_hbm, idx_v,
                    x0, x1, x2, x3, o0, o1, o2, o3,
                    si0, si1, si2, si3, so0, so1, so2, so3):
    wid = lax.axis_index("s") * NC + lax.axis_index("c")
    row_base = wid * ROWS_PER_W
    pltpu.sync_copy(idx_hbm, idx_v)

    xb = (x0, x1, x2, x3)
    ob = (o0, o1, o2, o3)
    sib = (si0, si1, si2, si3)
    sob = (so0, so1, so2, so3)

    def in_slice(b):
        return x_hbm.at[pl.ds(row_base + b * R, R)]

    def out_slice(b):
        return out_hbm.at[pl.ds(row_base + b * R, R)]

    for p in range(NBUF):
        pltpu.async_copy(in_slice(p), xb[p], sib[p])

    def gather_block(xt, ot):
        def gather_group(g):
            goff = pl.multiple_of(g * L, L)
            col = idx_v[pl.ds(goff, L)]
            vals = []
            for r in range(R):
                rows = jnp.full((L,), r, dtype=jnp.int32)
                vals.append(plsc.load_gather(xt, [rows, col]))
            return tuple(vals)

        def store_group(g, vals):
            goff = pl.multiple_of(g * L, L)
            for r in range(R):
                ot[r, pl.ds(goff, L)] = vals[r]

        @plsc.parallel_loop(1, NG, 1, unroll=1, carry=gather_group(0))
        def g_body(g, prev):
            cur = gather_group(g)
            store_group(g - 1, prev)
            return cur

        store_group(NG - 1, g_body)

    def blk_body(b4, carry):
        for p in range(NBUF):
            xt, ot, si, so = xb[p], ob[p], sib[p], sob[p]
            b = b4 * NBUF + p
            pltpu.make_async_copy(in_slice(b), xt, si).wait()
            @pl.when(b4 > 0)
            def _drain():
                pltpu.make_async_copy(ot, out_slice(b - NBUF), so).wait()
            gather_block(xt, ot)
            pltpu.async_copy(ot, out_slice(b), so)
            @pl.when(b + NBUF < NBLK)
            def _refill():
                pltpu.async_copy(in_slice(b + NBUF), xt, si)
        return carry

    lax.fori_loop(0, NBLK // NBUF, blk_body, 0)

    for p in range(NBUF):
        pltpu.make_async_copy(ob[p], out_slice(NBLK - NBUF + p), sob[p]).wait()


@jax.jit
def kernel(x, indices):
    mesh = plsc.VectorSubcoreMesh(core_axis_name="c", subcore_axis_name="s")
    run = functools.partial(
        pl.kernel,
        mesh=mesh,
        compiler_params=pltpu.CompilerParams(needs_layout_passes=False),
        out_type=jax.ShapeDtypeStruct((BATCH, N_FEATURES), jnp.float32),
        scratch_types=(
            [pltpu.VMEM((N_FEATURES,), jnp.int32)]
            + [pltpu.VMEM((R, N_FEATURES), jnp.float32)] * (2 * NBUF)
            + [pltpu.SemaphoreType.DMA] * (2 * NBUF)
        ),
    )(_permute_kernel)
    return run(x, indices)

# --- scband reference (transcript-rebuilt; emitter-appended) ---
"""Pipeline reference for scband-permutation-1503238554202 (READ-ONLY COPY).

The authoritative reference and input builder live on the scoring server;
editing this copy changes nothing except your own understanding.
"""

import jax, jax.numpy as jnp
import numpy as np

N_FEATURES = 1024
BATCH = 16384

def setup_inputs(seed: int = 0) -> dict:
    key = jax.random.key(seed)
    x = jax.random.normal(key, (BATCH, N_FEATURES), dtype=jnp.float32)
    # fixed random permutation (module buffer created at __init__ with torch.randperm)
    rng = np.random.RandomState(0)
    indices = jnp.asarray(rng.permutation(N_FEATURES), dtype=jnp.int32)
    return {"x": x, "indices": indices}

def reference(x, indices):
    # forward: x[:, self.indices]  -> gather along feature axis
    return jnp.take(x, indices, axis=1)

if __name__ == "__main__":
    import jax
    _d = setup_inputs()
    print(jax.jit(kernel)(*tuple(_d.values())))

</pallas_src>

<mosaic_0001>
#map = affine_map<(d0, d1) -> (0, 0)>
#map1 = affine_map<(d0, d1) -> (0)>
module attributes {stable_mosaic.version = 14 : i64} {
  func.func @_permute_kernel(%arg0: i32, %arg1: i32, %arg2: memref<16384x1024xf32, #tpu.memory_space<hbm>>, %arg3: memref<1024xi32, #tpu.memory_space<hbm>>, %arg4: memref<16384x1024xf32, #tpu.memory_space<hbm>>, %arg5: memref<1024xi32, #tpu.memory_space<vmem>>, %arg6: memref<8x1024xf32, #tpu.memory_space<vmem>>, %arg7: memref<8x1024xf32, #tpu.memory_space<vmem>>, %arg8: memref<8x1024xf32, #tpu.memory_space<vmem>>, %arg9: memref<8x1024xf32, #tpu.memory_space<vmem>>, %arg10: memref<8x1024xf32, #tpu.memory_space<vmem>>, %arg11: memref<8x1024xf32, #tpu.memory_space<vmem>>, %arg12: memref<8x1024xf32, #tpu.memory_space<vmem>>, %arg13: memref<8x1024xf32, #tpu.memory_space<vmem>>, %arg14: memref<!tpu.dma_semaphore, #tpu.memory_space<semaphore_mem>>, %arg15: memref<!tpu.dma_semaphore, #tpu.memory_space<semaphore_mem>>, %arg16: memref<!tpu.dma_semaphore, #tpu.memory_space<semaphore_mem>>, %arg17: memref<!tpu.dma_semaphore, #tpu.memory_space<semaphore_mem>>, %arg18: memref<!tpu.dma_semaphore, #tpu.memory_space<semaphore_mem>>, %arg19: memref<!tpu.dma_semaphore, #tpu.memory_space<semaphore_mem>>, %arg20: memref<!tpu.dma_semaphore, #tpu.memory_space<semaphore_mem>>, %arg21: memref<!tpu.dma_semaphore, #tpu.memory_space<semaphore_mem>>) attributes {dimension_semantics = [#tpu.dimension_semantics<core_parallel>, #tpu.dimension_semantics<subcore_parallel>], iteration_bounds = array<i64: 2, 16>, scalar_prefetch = 0 : i64, scratch_operands = 17 : i64, tpu.core_type = #tpu.core_type<sc_vector_subcore>, window_params = [{transform_indices = #map}, {transform_indices = #map1}, {transform_indices = #map}]} {
    %mul3A = arith.constant 2 : i32
    %mul3A_0 = arith.muli %arg1, %mul3A : i32
    %add3A = arith.addi %mul3A_0, %arg0 : i32
    %mul3A_1 = arith.constant 512 : i32
    %mul3A_2 = arith.muli %add3A, %mul3A_1 : i32
    "tpu.region"() ({
      %run_scoped3A = tpu.sem_alloc : memref<!tpu.dma_semaphore, #tpu.memory_space<semaphore_mem>>
      tpu.enqueue_dma source(%arg3 : memref<1024xi32, #tpu.memory_space<hbm>>) target(%arg5 : memref<1024xi32, #tpu.memory_space<vmem>>) target_semaphore(%run_scoped3A : memref<!tpu.dma_semaphore, #tpu.memory_space<semaphore_mem>>)
      tpu.wait_dma2 semaphore(%run_scoped3A : memref<!tpu.dma_semaphore, #tpu.memory_space<semaphore_mem>>) src(%arg3 : memref<1024xi32, #tpu.memory_space<hbm>>) dst(%arg5 : memref<1024xi32, #tpu.memory_space<vmem>>)
      tpu.yield
    }) : () -> ()
    %add3A_3 = arith.constant 0 : i32
    %add3A_4 = arith.addi %mul3A_2, %add3A_3 : i32
    %dma_start3A = arith.constant 0 : i32
    %dma_start3A_5 = tpu.memref_slice %arg2[%add3A_4, %dma_start3A] : memref<16384x1024xf32, #tpu.memory_space<hbm>> -> memref<8x1024xf32, #tpu.memory_space<hbm>>
    %dma_start3A_6 = arith.constant 0 : i32
    %dma_start3A_7 = tpu.memref_slice %arg2[%add3A_4, %dma_start3A_6] : memref<16384x1024xf32, #tpu.memory_space<hbm>> -> memref<8x1024xf32, #tpu.memory_space<hbm>>
    tpu.enqueue_dma source(%dma_start3A_7 : memref<8x1024xf32, #tpu.memory_space<hbm>>) target(%arg6 : memref<8x1024xf32, #tpu.memory_space<vmem>>) target_semaphore(%arg14 : memref<!tpu.dma_semaphore, #tpu.memory_space<semaphore_mem>>)
    %add3A_8 = arith.constant 8 : i32
    %add3A_9 = arith.addi %mul3A_2, %add3A_8 : i32
    %dma_start3A_10 = arith.constant 0 : i32
    %dma_start3A_11 = tpu.memref_slice %arg2[%add3A_9, %dma_start3A_10] : memref<16384x1024xf32, #tpu.memory_space<hbm>> -> memref<8x1024xf32, #tpu.memory_space<hbm>>
    %dma_start3A_12 = arith.constant 0 : i32
    %dma_start3A_13 = tpu.memref_slice %arg2[%add3A_9, %dma_start3A_12] : memref<16384x1024xf32, #tpu.memory_space<hbm>> -> memref<8x1024xf32, #tpu.memory_space<hbm>>
    tpu.enqueue_dma source(%dma_start3A_13 : memref<8x1024xf32, #tpu.memory_space<hbm>>) target(%arg7 : memref<8x1024xf32, #tpu.memory_space<vmem>>) target_semaphore(%arg15 : memref<!tpu.dma_semaphore, #tpu.memory_space<semaphore_mem>>)
    %add3A_14 = arith.constant 16 : i32
    %add3A_15 = arith.addi %mul3A_2, %add3A_14 : i32
    %dma_start3A_16 = arith.constant 0 : i32
    %dma_start3A_17 = tpu.memref_slice %arg2[%add3A_15, %dma_start3A_16] : memref<16384x1024xf32, #tpu.memory_space<hbm>> -> memref<8x1024xf32, #tpu.memory_space<hbm>>
    %dma_start3A_18 = arith.constant 0 : i32
    %dma_start3A_19 = tpu.memref_slice %arg2[%add3A_15, %dma_start3A_18] : memref<16384x1024xf32, #tpu.memory_space<hbm>> -> memref<8x1024xf32, #tpu.memory_space<hbm>>
    tpu.enqueue_dma source(%dma_start3A_19 : memref<8x1024xf32, #tpu.memory_space<hbm>>) target(%arg8 : memref<8x1024xf32, #tpu.memory_space<vmem>>) target_semaphore(%arg16 : memref<!tpu.dma_semaphore, #tpu.memory_space<semaphore_mem>>)
    %add3A_20 = arith.constant 24 : i32
    %add3A_21 = arith.addi %mul3A_2, %add3A_20 : i32
    %dma_start3A_22 = arith.constant 0 : i32
    %dma_start3A_23 = tpu.memref_slice %arg2[%add3A_21, %dma_start3A_22] : memref<16384x1024xf32, #tpu.memory_space<hbm>> -> memref<8x1024xf32, #tpu.memory_space<hbm>>
    %dma_start3A_24 = arith.constant 0 : i32
    %dma_start3A_25 = tpu.memref_slice %arg2[%add3A_21, %dma_start3A_24] : memref<16384x1024xf32, #tpu.memory_space<hbm>> -> memref<8x1024xf32, #tpu.memory_space<hbm>>
    tpu.enqueue_dma source(%dma_start3A_25 : memref<8x1024xf32, #tpu.memory_space<hbm>>) target(%arg9 : memref<8x1024xf32, #tpu.memory_space<vmem>>) target_semaphore(%arg17 : memref<!tpu.dma_semaphore, #tpu.memory_space<semaphore_mem>>)
    %scan3A = arith.constant 0 : i32
    %scan3A_26 = arith.constant 0 : i32
    %scan3A_27 = arith.constant 16 : i32
    %scan3A_28 = arith.addi %scan3A_26, %scan3A_27 : i32
    %scan3A_29 = arith.constant 1 : i32
    scf.for %scan3A_54 = %scan3A_26 to %scan3A_28 step %scan3A_29  : i32 {
      %mul3A_55 = arith.constant 4 : i32
      %mul3A_56 = arith.muli %scan3A_54, %mul3A_55 : i32
      %add3A_57 = arith.constant 0 : i32
      %add3A_58 = arith.addi %mul3A_56, %add3A_57 : i32
      %mul3A_59 = arith.constant 8 : i32
      %mul3A_60 = arith.muli %add3A_58, %mul3A_59 : i32
      %add3A_61 = arith.addi %mul3A_2, %mul3A_60 : i32
      %dma_wait3A_62 = arith.constant 0 : i32
      %dma_wait3A_63 = tpu.memref_slice %arg2[%add3A_61, %dma_wait3A_62] : memref<16384x1024xf32, #tpu.memory_space<hbm>> -> memref<8x1024xf32, #tpu.memory_space<hbm>>
      %dma_wait3A_64 = arith.constant 0 : i32
      %dma_wait3A_65 = tpu.memref_slice %arg2[%add3A_61, %dma_wait3A_64] : memref<16384x1024xf32, #tpu.memory_space<hbm>> -> memref<8x1024xf32, #tpu.memory_space<hbm>>
      tpu.wait_dma2 semaphore(%arg14 : memref<!tpu.dma_semaphore, #tpu.memory_space<semaphore_mem>>) src(%dma_wait3A_65 : memref<8x1024xf32, #tpu.memory_space<hbm>>) dst(%arg6 : memref<8x1024xf32, #tpu.memory_space<vmem>>)
      %gt3A = arith.constant 0 : i32
      %gt3A_66 = arith.cmpi sgt, %scan3A_54, %gt3A : i32
      %convert_element_type3A = arith.extui %gt3A_66 : i1 to i32
      %cond3A = arith.constant 0 : i32
      %cond3A_67 = arith.cmpi ne, %convert_element_type3A, %cond3A : i32
      scf.if %cond3A_67 {
        %sub3A = arith.constant 4 : i32
        %sub3A_429 = arith.subi %add3A_58, %sub3A : i32
        %mul3A_430 = arith.constant 8 : i32
        %mul3A_431 = arith.muli %sub3A_429, %mul3A_430 : i32
        %add3A_432 = arith.addi %mul3A_2, %mul3A_431 : i32
        %dma_wait3A_433 = arith.constant 0 : i32
        %dma_wait3A_434 = tpu.memref_slice %arg4[%add3A_432, %dma_wait3A_433] : memref<16384x1024xf32, #tpu.memory_space<hbm>> -> memref<8x1024xf32, #tpu.memory_space<hbm>>
        %dma_wait3A_435 = arith.constant 0 : i32
        %dma_wait3A_436 = tpu.memref_slice %arg4[%add3A_432, %dma_wait3A_435] : memref<16384x1024xf32, #tpu.memory_space<hbm>> -> memref<8x1024xf32, #tpu.memory_space<hbm>>
        tpu.wait_dma2 semaphore(%arg18 : memref<!tpu.dma_semaphore, #tpu.memory_space<semaphore_mem>>) src(%arg10 : memref<8x1024xf32, #tpu.memory_space<vmem>>) dst(%dma_wait3A_436 : memref<8x1024xf32, #tpu.memory_space<hbm>>)
      } else {
      }
      %multiple_of3A = arith.constant 0 : i32
      %multiple_of3A_68 = tpu.assume_multiple %multiple_of3A, 16 : i32
      %get3A = arith.index_cast %multiple_of3A_68 : i32 to index
      %get3A_69 = tpu.vector_load %arg5[%get3A] {strides = array<i32>} : memref<1024xi32, #tpu.memory_space<vmem>>, vector<16xi32>,
      %broadcast_in_dim3A = arith.constant 0 : i32
      %broadcast_in_dim3A_70 = vector.broadcast %broadcast_in_dim3A : i32 to vector<16xi32>
      %gather3A = tpu.vector_load_idx %arg6[%broadcast_in_dim3A_70, %get3A_69] : memref<8x1024xf32, #tpu.memory_space<vmem>>[vector<16xi32>, vector<16xi32>], vector<16xf32>,
      %broadcast_in_dim3A_71 = arith.constant 1 : i32
      %broadcast_in_dim3A_72 = vector.broadcast %broadcast_in_dim3A_71 : i32 to vector<16xi32>
      %gather3A_73 = tpu.vector_load_idx %arg6[%broadcast_in_dim3A_72, %get3A_69] : memref<8x1024xf32, #tpu.memory_space<vmem>>[vector<16xi32>, vector<16xi32>], vector<16xf32>,
      %broadcast_in_dim3A_74 = arith.constant 2 : i32
      %broadcast_in_dim3A_75 = vector.broadcast %broadcast_in_dim3A_74 : i32 to vector<16xi32>
      %gather3A_76 = tpu.vector_load_idx %arg6[%broadcast_in_dim3A_75, %get3A_69] : memref<8x1024xf32, #tpu.memory_space<vmem>>[vector<16xi32>, vector<16xi32>], vector<16xf32>,
      %broadcast_in_dim3A_77 = arith.constant 3 : i32
      %broadcast_in_dim3A_78 = vector.broadcast %broadcast_in_dim3A_77 : i32 to vector<16xi32>
      %gather3A_79 = tpu.vector_load_idx %arg6[%broadcast_in_dim3A_78, %get3A_69] : memref<8x1024xf32, #tpu.memory_space<vmem>>[vector<16xi32>, vector<16xi32>], vector<16xf32>,
      %broadcast_in_dim3A_80 = arith.constant 4 : i32
      %broadcast_in_dim3A_81 = vector.broadcast %broadcast_in_dim3A_80 : i32 to vector<16xi32>
      %gather3A_82 = tpu.vector_load_idx %arg6[%broadcast_in_dim3A_81, %get3A_69] : memref<8x1024xf32, #tpu.memory_space<vmem>>[vector<16xi32>, vector<16xi32>], vector<16xf32>,
      %broadcast_in_dim3A_83 = arith.constant 5 : i32
      %broadcast_in_dim3A_84 = vector.broadcast %broadcast_in_dim3A_83 : i32 to vector<16xi32>
      %gather3A_85 = tpu.vector_load_idx %arg6[%broadcast_in_dim3A_84, %get3A_69] : memref<8x1024xf32, #tpu.memory_space<vmem>>[vector<16xi32>, vector<16xi32>], vector<16xf32>,
      %broadcast_in_dim3A_86 = arith.constant 6 : i32
      %broadcast_in_dim3A_87 = vector.broadcast %broadcast_in_dim3A_86 : i32 to vector<16xi32>
      %gather3A_88 = tpu.vector_load_idx %arg6[%broadcast_in_dim3A_87, %get3A_69] : memref<8x1024xf32, #tpu.memory_space<vmem>>[vector<16xi32>, vector<16xi32>], vector<16xf32>,
      %broadcast_in_dim3A_89 = arith.constant 7 : i32
      %broadcast_in_dim3A_90 = vector.broadcast %broadcast_in_dim3A_89 : i32 to vector<16xi32>
      %gather3A_91 = tpu.vector_load_idx %arg6[%broadcast_in_dim3A_90, %get3A_69] : memref<8x1024xf32, #tpu.memory_space<vmem>>[vector<16xi32>, vector<16xi32>], vector<16xf32>,
      %parallel_loop3A = arith.constant 1 : i32
      %parallel_loop3A_92 = arith.constant 64 : i32
      %parallel_loop3A_93 = arith.constant 1 : i32
      %parallel_loop3A_94:8 = scf.for %parallel_loop3A_429 = %parallel_loop3A to %parallel_loop3A_92 step %parallel_loop3A_93 iter_args(%parallel_loop3A_430 = %gather3A, %parallel_loop3A_431 = %gather3A_73, %parallel_loop3A_432 = %gather3A_76, %parallel_loop3A_433 = %gather3A_79, %parallel_loop3A_434 = %gather3A_82, %parallel_loop3A_435 = %gather3A_85, %parallel_loop3A_436 = %gather3A_88, %parallel_loop3A_437 = %gather3A_91) -> (vector<16xf32>, vector<16xf32>, vector<16xf32>, vector<16xf32>, vector<16xf32>, vector<16xf32>, vector<16xf32>, vector<16xf32>)  : i32 {
        %parallel_loop3A_438 = arith.constant 16 : i32
        %parallel_loop3A_439 = arith.muli %parallel_loop3A_429, %parallel_loop3A_438 : i32
        %parallel_loop3A_440 = tpu.assume_multiple %parallel_loop3A_439, 16 : i32
        %parallel_loop3A_441 = arith.index_cast %parallel_loop3A_440 : i32 to index
        %parallel_loop3A_442 = tpu.vector_load %arg5[%parallel_loop3A_441] {strides = array<i32>} : memref<1024xi32, #tpu.memory_space<vmem>>, vector<16xi32>,
        %parallel_loop3A_443 = arith.constant 0 : i32
        %parallel_loop3A_444 = vector.broadcast %parallel_loop3A_443 : i32 to vector<16xi32>
        %parallel_loop3A_445 = tpu.vector_load_idx %arg6[%parallel_loop3A_444, %parallel_loop3A_442] : memref<8x1024xf32, #tpu.memory_space<vmem>>[vector<16xi32>, vector<16xi32>], vector<16xf32>,
        %parallel_loop3A_446 = arith.constant 1 : i32
        %parallel_loop3A_447 = vector.broadcast %parallel_loop3A_446 : i32 to vector<16xi32>
        %parallel_loop3A_448 = tpu.vector_load_idx %arg6[%parallel_loop3A_447, %parallel_loop3A_442] : memref<8x1024xf32, #tpu.memory_space<vmem>>[vector<16xi32>, vector<16xi32>], vector<16xf32>,
        %parallel_loop3A_449 = arith.constant 2 : i32
        %parallel_loop3A_450 = vector.broadcast %parallel_loop3A_449 : i32 to vector<16xi32>
        %parallel_loop3A_451 = tpu.vector_load_idx %arg6[%parallel_loop3A_450, %parallel_loop3A_442] : memref<8x1024xf32, #tpu.memory_space<vmem>>[vector<16xi32>, vector<16xi32>], vector<16xf32>,
        %parallel_loop3A_452 = arith.constant 3 : i32
        %parallel_loop3A_453 = vector.broadcast %parallel_loop3A_452 : i32 to vector<16xi32>
        %parallel_loop3A_454 = tpu.vector_load_idx %arg6[%parallel_loop3A_453, %parallel_loop3A_442] : memref<8x1024xf32, #tpu.memory_space<vmem>>[vector<16xi32>, vector<16xi32>], vector<16xf32>,
        %parallel_loop3A_455 = arith.constant 4 : i32
        %parallel_loop3A_456 = vector.broadcast %parallel_loop3A_455 : i32 to vector<16xi32>
        %parallel_loop3A_457 = tpu.vector_load_idx %arg6[%parallel_loop3A_456, %parallel_loop3A_442] : memref<8x1024xf32, #tpu.memory_space<vmem>>[vector<16xi32>, vector<16xi32>], vector<16xf32>,
        %parallel_loop3A_458 = arith.constant 5 : i32
        %parallel_loop3A_459 = vector.broadcast %parallel_loop3A_458 : i32 to vector<16xi32>
        %parallel_loop3A_460 = tpu.vector_load_idx %arg6[%parallel_loop3A_459, %parallel_loop3A_442] : memref<8x1024xf32, #tpu.memory_space<vmem>>[vector<16xi32>, vector<16xi32>], vector<16xf32>,
        %parallel_loop3A_461 = arith.constant 6 : i32
        %parallel_loop3A_462 = vector.broadcast %parallel_loop3A_461 : i32 to vector<16xi32>
        %parallel_loop3A_463 = tpu.vector_load_idx %arg6[%parallel_loop3A_462, %parallel_loop3A_442] : memref<8x1024xf32, #tpu.memory_space<vmem>>[vector<16xi32>, vector<16xi32>], vector<16xf32>,
        %parallel_loop3A_464 = arith.constant 7 : i32
        %parallel_loop3A_465 = vector.broadcast %parallel_loop3A_464 : i32 to vector<16xi32>
        %parallel_loop3A_466 = tpu.vector_load_idx %arg6[%parallel_loop3A_465, %parallel_loop3A_442] : memref<8x1024xf32, #tpu.memory_space<vmem>>[vector<16xi32>, vector<16xi32>], vector<16xf32>,
        %parallel_loop3A_467 = arith.constant 1 : i32
        %parallel_loop3A_468 = arith.subi %parallel_loop3A_429, %parallel_loop3A_467 : i32
        %parallel_loop3A_469 = arith.constant 16 : i32
        %parallel_loop3A_470 = arith.muli %parallel_loop3A_468, %parallel_loop3A_469 : i32
        %parallel_loop3A_471 = tpu.assume_multiple %parallel_loop3A_470, 16 : i32
        %parallel_loop3A_472 = arith.constant 0 : i32
        %parallel_loop3A_473 = arith.index_cast %parallel_loop3A_472 : i32 to index
        %parallel_loop3A_474 = arith.index_cast %parallel_loop3A_471 : i32 to index
        %parallel_loop3A_475 = tpu.vector_load %arg10[%parallel_loop3A_473, %parallel_loop3A_474] {strides = array<i32>} : memref<8x1024xf32, #tpu.memory_space<vmem>>, vector<16xf32>,
        tpu.vector_store %arg10[%parallel_loop3A_473, %parallel_loop3A_474], %parallel_loop3A_430 {strides = array<i32>} : memref<8x1024xf32, #tpu.memory_space<vmem>>, vector<16xf32>,
        %parallel_loop3A_476 = arith.constant 1 : i32
        %parallel_loop3A_477 = arith.index_cast %parallel_loop3A_476 : i32 to index
        %parallel_loop3A_478 = arith.index_cast %parallel_loop3A_471 : i32 to index
        %parallel_loop3A_479 = tpu.vector_load %arg10[%parallel_loop3A_477, %parallel_loop3A_478] {strides = array<i32>} : memref<8x1024xf32, #tpu.memory_space<vmem>>, vector<16xf32>,
        tpu.vector_store %arg10[%parallel_loop3A_477, %parallel_loop3A_478], %parallel_loop3A_431 {strides = array<i32>} : memref<8x1024xf32, #tpu.memory_space<vmem>>, vector<16xf32>,
        %parallel_loop3A_480 = arith.constant 2 : i32
        %parallel_loop3A_481 = arith.index_cast %parallel_loop3A_480 : i32 to index
        %parallel_loop3A_482 = arith.index_cast %parallel_loop3A_471 : i32 to index
        %parallel_loop3A_483 = tpu.vector_load %arg10[%parallel_loop3A_481, %parallel_loop3A_482] {strides = array<i32>} : memref<8x1024xf32, #tpu.memory_space<vmem>>, vector<16xf32>,
        tpu.vector_store %arg10[%parallel_loop3A_481, %parallel_loop3A_482], %parallel_loop3A_432 {strides = array<i32>} : memref<8x1024xf32, #tpu.memory_space<vmem>>, vector<16xf32>,
        %parallel_loop3A_484 = arith.constant 3 : i32
        %parallel_loop3A_485 = arith.index_cast %parallel_loop3A_484 : i32 to index
        %parallel_loop3A_486 = arith.index_cast %parallel_loop3A_471 : i32 to index
        %parallel_loop3A_487 = tpu.vector_load %arg10[%parallel_loop3A_485, %parallel_loop3A_486] {strides = array<i32>} : memref<8x1024xf32, #tpu.memory_space<vmem>>, vector<16xf32>,
        tpu.vector_store %arg10[%parallel_loop3A_485, %parallel_loop3A_486], %parallel_loop3A_433 {strides = array<i32>} : memref<8x1024xf32, #tpu.memory_space<vmem>>, vector<16xf32>,
        %parallel_loop3A_488 = arith.constant 4 : i32
        %parallel_loop3A_489 = arith.index_cast %parallel_loop3A_488 : i32 to index
        %parallel_loop3A_490 = arith.index_cast %parallel_loop3A_471 : i32 to index
        %parallel_loop3A_491 = tpu.vector_load %arg10[%parallel_loop3A_489, %parallel_loop3A_490] {strides = array<i32>} : memref<8x1024xf32, #tpu.memory_space<vmem>>, vector<16xf32>,
        tpu.vector_store %arg10[%parallel_loop3A_489, %parallel_loop3A_490], %parallel_loop3A_434 {strides = array<i32>} : memref<8x1024xf32, #tpu.memory_space<vmem>>, vector<16xf32>,
        %parallel_loop3A_492 = arith.constant 5 : i32
        %parallel_loop3A_493 = arith.index_cast %parallel_loop3A_492 : i32 to index
        %parallel_loop3A_494 = arith.index_cast %parallel_loop3A_471 : i32 to index
        %parallel_loop3A_495 = tpu.vector_load %arg10[%parallel_loop3A_493, %parallel_loop3A_494] {strides = array<i32>} : memref<8x1024xf32, #tpu.memory_space<vmem>>, vector<16xf32>,
        tpu.vector_store %arg10[%parallel_loop3A_493, %parallel_loop3A_494], %parallel_loop3A_435 {strides = array<i32>} : memref<8x1024xf32, #tpu.memory_space<vmem>>, vector<16xf32>,
        %parallel_loop3A_496 = arith.constant 6 : i32
        %parallel_loop3A_497 = arith.index_cast %parallel_loop3A_496 : i32 to index
        %parallel_loop3A_498 = arith.index_cast %parallel_loop3A_471 : i32 to index
        %parallel_loop3A_499 = tpu.vector_load %arg10[%parallel_loop3A_497, %parallel_loop3A_498] {strides = array<i32>} : memref<8x1024xf32, #tpu.memory_space<vmem>>, vector<16xf32>,
        tpu.vector_store %arg10[%parallel_loop3A_497, %parallel_loop3A_498], %parallel_loop3A_436 {strides = array<i32>} : memref<8x1024xf32, #tpu.memory_space<vmem>>, vector<16xf32>,
        %parallel_loop3A_500 = arith.constant 7 : i32
        %parallel_loop3A_501 = arith.index_cast %parallel_loop3A_500 : i32 to index
        %parallel_loop3A_502 = arith.index_cast %parallel_loop3A_471 : i32 to index
        %parallel_loop3A_503 = tpu.vector_load %arg10[%parallel_loop3A_501, %parallel_loop3A_502] {strides = array<i32>} : memref<8x1024xf32, #tpu.memory_space<vmem>>, vector<16xf32>,
        tpu.vector_store %arg10[%parallel_loop3A_501, %parallel_loop3A_502], %parallel_loop3A_437 {strides = array<i32>} : memref<8x1024xf32, #tpu.memory_space<vmem>>, vector<16xf32>,
        scf.yield %parallel_loop3A_445, %parallel_loop3A_448, %parallel_loop3A_451, %parallel_loop3A_454, %parallel_loop3A_457, %parallel_loop3A_460, %parallel_loop3A_463, %parallel_loop3A_466 : vector<16xf32>, vector<16xf32>, vector<16xf32>, vector<16xf32>, vector<16xf32>, vector<16xf32>, vector<16xf32>, vector<16xf32>
      } {sc.loop_unroll_factor = 1 : i64, sc.parallel_access}
      %multiple_of3A_95 = arith.constant 1008 : i32
      %multiple_of3A_96 = tpu.assume_multiple %multiple_of3A_95, 16 : i32
      %swap3A = arith.constant 0 : i32
      %swap3A_97 = arith.index_cast %swap3A : i32 to index
      %swap3A_98 = arith.index_cast %multiple_of3A_96 : i32 to index
      %swap3A_99 = tpu.vector_load %arg10[%swap3A_97, %swap3A_98] {strides = array<i32>} : memref<8x1024xf32, #tpu.memory_space<vmem>>, vector<16xf32>,
      tpu.vector_store %arg10[%swap3A_97, %swap3A_98], %parallel_loop3A_94#0 {strides = array<i32>} : memref<8x1024xf32, #tpu.memory_space<vmem>>, vector<16xf32>,
      %swap3A_100 = arith.constant 1 : i32
      %swap3A_101 = arith.index_cast %swap3A_100 : i32 to index
      %swap3A_102 = arith.index_cast %multiple_of3A_96 : i32 to index
      %swap3A_103 = tpu.vector_load %arg10[%swap3A_101, %swap3A_102] {strides = array<i32>} : memref<8x1024xf32, #tpu.memory_space<vmem>>, vector<16xf32>,
      tpu.vector_store %arg10[%swap3A_101, %swap3A_102], %parallel_loop3A_94#1 {strides = array<i32>} : memref<8x1024xf32, #tpu.memory_space<vmem>>, vector<16xf32>,
      %swap3A_104 = arith.constant 2 : i32
      %swap3A_105 = arith.index_cast %swap3A_104 : i32 to index
      %swap3A_106 = arith.index_cast %multiple_of3A_96 : i32 to index
      %swap3A_107 = tpu.vector_load %arg10[%swap3A_105, %swap3A_106] {strides = array<i32>} : memref<8x1024xf32, #tpu.memory_space<vmem>>, vector<16xf32>,
      tpu.vector_store %arg10[%swap3A_105, %swap3A_106], %parallel_loop3A_94#2 {strides = array<i32>} : memref<8x1024xf32, #tpu.memory_space<vmem>>, vector<16xf32>,
      %swap3A_108 = arith.constant 3 : i32
      %swap3A_109 = arith.index_cast %swap3A_108 : i32 to index
      %swap3A_110 = arith.index_cast %multiple_of3A_96 : i32 to index
      %swap3A_111 = tpu.vector_load %arg10[%swap3A_109, %swap3A_110] {strides = array<i32>} : memref<8x1024xf32, #tpu.memory_space<vmem>>, vector<16xf32>,
      tpu.vector_store %arg10[%swap3A_109, %swap3A_110], %parallel_loop3A_94#3 {strides = array<i32>} : memref<8x1024xf32, #tpu.memory_space<vmem>>, vector<16xf32>,
      %swap3A_112 = arith.constant 4 : i32
      %swap3A_113 = arith.index_cast %swap3A_112 : i32 to index
      %swap3A_114 = arith.index_cast %multiple_of3A_96 : i32 to index
      %swap3A_115 = tpu.vector_load %arg10[%swap3A_113, %swap3A_114] {strides = array<i32>} : memref<8x1024xf32, #tpu.memory_space<vmem>>, vector<16xf32>,
      tpu.vector_store %arg10[%swap3A_113, %swap3A_114], %parallel_loop3A_94#4 {strides = array<i32>} : memref<8x1024xf32, #tpu.memory_space<vmem>>, vector<16xf32>,
      %swap3A_116 = arith.constant 5 : i32
      %swap3A_117 = arith.index_cast %swap3A_116 : i32 to index
      %swap3A_118 = arith.index_cast %multiple_of3A_96 : i32 to index
      %swap3A_119 = tpu.vector_load %arg10[%swap3A_117, %swap3A_118] {strides = array<i32>} : memref<8x1024xf32, #tpu.memory_space<vmem>>, vector<16xf32>,
      tpu.vector_store %arg10[%swap3A_117, %swap3A_118], %parallel_loop3A_94#5 {strides = array<i32>} : memref<8x1024xf32, #tpu.memory_space<vmem>>, vector<16xf32>,
      %swap3A_120 = arith.constant 6 : i32
      %swap3A_121 = arith.index_cast %swap3A_120 : i32 to index
      %swap3A_122 = arith.index_cast %multiple_of3A_96 : i32 to index
      %swap3A_123 = tpu.vector_load %arg10[%swap3A_121, %swap3A_122] {strides = array<i32>} : memref<8x1024xf32, #tpu.memory_space<vmem>>, vector<16xf32>,
      tpu.vector_store %arg10[%swap3A_121, %swap3A_122], %parallel_loop3A_94#6 {strides = array<i32>} : memref<8x1024xf32, #tpu.memory_space<vmem>>, vector<16xf32>,
      %swap3A_124 = arith.constant 7 : i32
      %swap3A_125 = arith.index_cast %swap3A_124 : i32 to index
      %swap3A_126 = arith.index_cast %multiple_of3A_96 : i32 to index
      %swap3A_127 = tpu.vector_load %arg10[%swap3A_125, %swap3A_126] {strides = array<i32>} : memref<8x1024xf32, #tpu.memory_space<vmem>>, vector<16xf32>,
      tpu.vector_store %arg10[%swap3A_125, %swap3A_126], %parallel_loop3A_94#7 {strides = array<i32>} : memref<8x1024xf32, #tpu.memory_space<vmem>>, vector<16xf32>,
      %mul3A_128 = arith.constant 8 : i32
      %mul3A_129 = arith.muli %add3A_58, %mul3A_128 : i32
      %add3A_130 = arith.addi %mul3A_2, %mul3A_129 : i32
      %dma_start3A_131 = arith.constant 0 : i32
      %dma_start3A_132 = tpu.memref_slice %arg4[%add3A_130, %dma_start3A_131] : memref<16384x1024xf32, #tpu.memory_space<hbm>> -> memref<8x1024xf32, #tpu.memory_space<hbm>>
      %dma_start3A_133 = arith.constant 0 : i32
      %dma_start3A_134 = tpu.memref_slice %arg4[%add3A_130, %dma_start3A_133] : memref<16384x1024xf32, #tpu.memory_space<hbm>> -> memref<8x1024xf32, #tpu.memory_space<hbm>>
      tpu.enqueue_dma source(%arg10 : memref<8x1024xf32, #tpu.memory_space<vmem>>) target(%dma_start3A_134 : memref<8x1024xf32, #tpu.memory_space<hbm>>) target_semaphore(%arg18 : memref<!tpu.dma_semaphore, #tpu.memory_space<semaphore_mem>>)
      %add3A_135 = arith.constant 4 : i32
      %add3A_136 = arith.addi %add3A_58, %add3A_135 : i32
      %lt3A = arith.constant 64 : i32
      %lt3A_137 = arith.cmpi slt, %add3A_136, %lt3A : i32
      %convert_element_type3A_138 = arith.extui %lt3A_137 : i1 to i32
      %cond3A_139 = arith.constant 0 : i32
      %cond3A_140 = arith.cmpi ne, %convert_element_type3A_138, %cond3A_139 : i32
      scf.if %cond3A_140 {
        %add3A_429 = arith.constant 4 : i32
        %add3A_430 = arith.addi %add3A_58, %add3A_429 : i32
        %mul3A_431 = arith.constant 8 : i32
        %mul3A_432 = arith.muli %add3A_430, %mul3A_431 : i32
        %add3A_433 = arith.addi %mul3A_2, %mul3A_432 : i32
        %dma_start3A_434 = arith.constant 0 : i32
        %dma_start3A_435 = tpu.memref_slice %arg2[%add3A_433, %dma_start3A_434] : memref<16384x1024xf32, #tpu.memory_space<hbm>> -> memref<8x1024xf32, #tpu.memory_space<hbm>>
        %dma_start3A_436 = arith.constant 0 : i32
        %dma_start3A_437 = tpu.memref_slice %arg2[%add3A_433, %dma_start3A_436] : memref<16384x1024xf32, #tpu.memory_space<hbm>> -> memref<8x1024xf32, #tpu.memory_space<hbm>>
        tpu.enqueue_dma source(%dma_start3A_437 : memref<8x1024xf32, #tpu.memory_space<hbm>>) target(%arg6 : memref<8x1024xf32, #tpu.memory_space<vmem>>) target_semaphore(%arg14 : memref<!tpu.dma_semaphore, #tpu.memory_space<semaphore_mem>>)
      } else {
      }
      %mul3A_141 = arith.constant 4 : i32
      %mul3A_142 = arith.muli %scan3A_54, %mul3A_141 : i32
      %add3A_143 = arith.constant 1 : i32
      %add3A_144 = arith.addi %mul3A_142, %add3A_143 : i32
      %mul3A_145 = arith.constant 8 : i32
      %mul3A_146 = arith.muli %add3A_144, %mul3A_145 : i32
      %add3A_147 = arith.addi %mul3A_2, %mul3A_146 : i32
      %dma_wait3A_148 = arith.constant 0 : i32
      %dma_wait3A_149 = tpu.memref_slice %arg2[%add3A_147, %dma_wait3A_148] : memref<16384x1024xf32, #tpu.memory_space<hbm>> -> memref<8x1024xf32, #tpu.memory_space<hbm>>
      %dma_wait3A_150 = arith.constant 0 : i32
      %dma_wait3A_151 = tpu.memref_slice %arg2[%add3A_147, %dma_wait3A_150] : memref<16384x1024xf32, #tpu.memory_space<hbm>> -> memref<8x1024xf32, #tpu.memory_space<hbm>>
      tpu.wait_dma2 semaphore(%arg15 : memref<!tpu.dma_semaphore, #tpu.memory_space<semaphore_mem>>) src(%dma_wait3A_151 : memref<8x1024xf32, #tpu.memory_space<hbm>>) dst(%arg7 : memref<8x1024xf32, #tpu.memory_space<vmem>>)
      %gt3A_152 = arith.constant 0 : i32
      %gt3A_153 = arith.cmpi sgt, %scan3A_54, %gt3A_152 : i32
      %convert_element_type3A_154 = arith.extui %gt3A_153 : i1 to i32
      %cond3A_155 = arith.constant 0 : i32
      %cond3A_156 = arith.cmpi ne, %convert_element_type3A_154, %cond3A_155 : i32
      scf.if %cond3A_156 {
        %sub3A = arith.constant 4 : i32
        %sub3A_429 = arith.subi %add3A_144, %sub3A : i32
        %mul3A_430 = arith.constant 8 : i32
        %mul3A_431 = arith.muli %sub3A_429, %mul3A_430 : i32
        %add3A_432 = arith.addi %mul3A_2, %mul3A_431 : i32
        %dma_wait3A_433 = arith.constant 0 : i32
        %dma_wait3A_434 = tpu.memref_slice %arg4[%add3A_432, %dma_wait3A_433] : memref<16384x1024xf32, #tpu.memory_space<hbm>> -> memref<8x1024xf32, #tpu.memory_space<hbm>>
        %dma_wait3A_435 = arith.constant 0 : i32
        %dma_wait3A_436 = tpu.memref_slice %arg4[%add3A_432, %dma_wait3A_435] : memref<16384x1024xf32, #tpu.memory_space<hbm>> -> memref<8x1024xf32, #tpu.memory_space<hbm>>
        tpu.wait_dma2 semaphore(%arg19 : memref<!tpu.dma_semaphore, #tpu.memory_space<semaphore_mem>>) src(%arg11 : memref<8x1024xf32, #tpu.memory_space<vmem>>) dst(%dma_wait3A_436 : memref<8x1024xf32, #tpu.memory_space<hbm>>)
      } else {
      }
      %multiple_of3A_157 = arith.constant 0 : i32
      %multiple_of3A_158 = tpu.assume_multiple %multiple_of3A_157, 16 : i32
      %get3A_159 = arith.index_cast %multiple_of3A_158 : i32 to index
      %get3A_160 = tpu.vector_load %arg5[%get3A_159] {strides = array<i32>} : memref<1024xi32, #tpu.memory_space<vmem>>, vector<16xi32>,
      %broadcast_in_dim3A_161 = arith.constant 0 : i32
      %broadcast_in_dim3A_162 = vector.broadcast %broadcast_in_dim3A_161 : i32 to vector<16xi32>
      %gather3A_163 = tpu.vector_load_idx %arg7[%broadcast_in_dim3A_162, %get3A_160] : memref<8x1024xf32, #tpu.memory_space<vmem>>[vector<16xi32>, vector<16xi32>], vector<16xf32>,
      %broadcast_in_dim3A_164 = arith.constant 1 : i32
      %broadcast_in_dim3A_165 = vector.broadcast %broadcast_in_dim3A_164 : i32 to vector<16xi32>
      %gather3A_166 = tpu.vector_load_idx %arg7[%broadcast_in_dim3A_165, %get3A_160] : memref<8x1024xf32, #tpu.memory_space<vmem>>[vector<16xi32>, vector<16xi32>], vector<16xf32>,
      %broadcast_in_dim3A_167 = arith.constant 2 : i32
      %broadcast_in_dim3A_168 = vector.broadcast %broadcast_in_dim3A_167 : i32 to vector<16xi32>
      %gather3A_169 = tpu.vector_load_idx %arg7[%broadcast_in_dim3A_168, %get3A_160] : memref<8x1024xf32, #tpu.memory_space<vmem>>[vector<16xi32>, vector<16xi32>], vector<16xf32>,
      %broadcast_in_dim3A_170 = arith.constant 3 : i32
      %broadcast_in_dim3A_171 = vector.broadcast %broadcast_in_dim3A_170 : i32 to vector<16xi32>
      %gather3A_172 = tpu.vector_load_idx %arg7[%broadcast_in_dim3A_171, %get3A_160] : memref<8x1024xf32, #tpu.memory_space<vmem>>[vector<16xi32>, vector<16xi32>], vector<16xf32>,
      %broadcast_in_dim3A_173 = arith.constant 4 : i32
      %broadcast_in_dim3A_174 = vector.broadcast %broadcast_in_dim3A_173 : i32 to vector<16xi32>
      %gather3A_175 = tpu.vector_load_idx %arg7[%broadcast_in_dim3A_174, %get3A_160] : memref<8x1024xf32, #tpu.memory_space<vmem>>[vector<16xi32>, vector<16xi32>], vector<16xf32>,
      %broadcast_in_dim3A_176 = arith.constant 5 : i32
      %broadcast_in_dim3A_177 = vector.broadcast %broadcast_in_dim3A_176 : i32 to vector<16xi32>
      %gather3A_178 = tpu.vector_load_idx %arg7[%broadcast_in_dim3A_177, %get3A_160] : memref<8x1024xf32, #tpu.memory_space<vmem>>[vector<16xi32>, vector<16xi32>], vector<16xf32>,
      %broadcast_in_dim3A_179 = arith.constant 6 : i32
      %broadcast_in_dim3A_180 = vector.broadcast %broadcast_in_dim3A_179 : i32 to vector<16xi32>
      %gather3A_181 = tpu.vector_load_idx %arg7[%broadcast_in_dim3A_180, %get3A_160] : memref<8x1024xf32, #tpu.memory_space<vmem>>[vector<16xi32>, vector<16xi32>], vector<16xf32>,
      %broadcast_in_dim3A_182 = arith.constant 7 : i32
      %broadcast_in_dim3A_183 = vector.broadcast %broadcast_in_dim3A_182 : i32 to vector<16xi32>
      %gather3A_184 = tpu.vector_load_idx %arg7[%broadcast_in_dim3A_183, %get3A_160] : memref<8x1024xf32, #tpu.memory_space<vmem>>[vector<16xi32>, vector<16xi32>], vector<16xf32>,
      %parallel_loop3A_185 = arith.constant 1 : i32
      %parallel_loop3A_186 = arith.constant 64 : i32
      %parallel_loop3A_187 = arith.constant 1 : i32
      %parallel_loop3A_188:8 = scf.for %parallel_loop3A_429 = %parallel_loop3A_185 to %parallel_loop3A_186 step %parallel_loop3A_187 iter_args(%parallel_loop3A_430 = %gather3A_163, %parallel_loop3A_431 = %gather3A_166, %parallel_loop3A_432 = %gather3A_169, %parallel_loop3A_433 = %gather3A_172, %parallel_loop3A_434 = %gather3A_175, %parallel_loop3A_435 = %gather3A_178, %parallel_loop3A_436 = %gather3A_181, %parallel_loop3A_437 = %gather3A_184) -> (vector<16xf32>, vector<16xf32>, vector<16xf32>, vector<16xf32>, vector<16xf32>, vector<16xf32>, vector<16xf32>, vector<16xf32>)  : i32 {
        %parallel_loop3A_438 = arith.constant 16 : i32
        %parallel_loop3A_439 = arith.muli %parallel_loop3A_429, %parallel_loop3A_438 : i32
        %parallel_loop3A_440 = tpu.assume_multiple %parallel_loop3A_439, 16 : i32
        %parallel_loop3A_441 = arith.index_cast %parallel_loop3A_440 : i32 to index
        %parallel_loop3A_442 = tpu.vector_load %arg5[%parallel_loop3A_441] {strides = array<i32>} : memref<1024xi32, #tpu.memory_space<vmem>>, vector<16xi32>,
        %parallel_loop3A_443 = arith.constant 0 : i32
        %parallel_loop3A_444 = vector.broadcast %parallel_loop3A_443 : i32 to vector<16xi32>
        %parallel_loop3A_445 = tpu.vector_load_idx %arg7[%parallel_loop3A_444, %parallel_loop3A_442] : memref<8x1024xf32, #tpu.memory_space<vmem>>[vector<16xi32>, vector<16xi32>], vector<16xf32>,
        %parallel_loop3A_446 = arith.constant 1 : i32
        %parallel_loop3A_447 = vector.broadcast %parallel_loop3A_446 : i32 to vector<16xi32>
        %parallel_loop3A_448 = tpu.vector_load_idx %arg7[%parallel_loop3A_447, %parallel_loop3A_442] : memref<8x1024xf32, #tpu.memory_space<vmem>>[vector<16xi32>, vector<16xi32>], vector<16xf32>,
        %parallel_loop3A_449 = arith.constant 2 : i32
        %parallel_loop3A_450 = vector.broadcast %parallel_loop3A_449 : i32 to vector<16xi32>
        %parallel_loop3A_451 = tpu.vector_load_idx %arg7[%parallel_loop3A_450, %parallel_loop3A_442] : memref<8x1024xf32, #tpu.memory_space<vmem>>[vector<16xi32>, vector<16xi32>], vector<16xf32>,
        %parallel_loop3A_452 = arith.constant 3 : i32
        %parallel_loop3A_453 = vector.broadcast %parallel_loop3A_452 : i32 to vector<16xi32>
        %parallel_loop3A_454 = tpu.vector_load_idx %arg7[%parallel_loop3A_453, %parallel_loop3A_442] : memref<8x1024xf32, #tpu.memory_space<vmem>>[vector<16xi32>, vector<16xi32>], vector<16xf32>,
        %parallel_loop3A_455 = arith.constant 4 : i32
        %parallel_loop3A_456 = vector.broadcast %parallel_loop3A_455 : i32 to vector<16xi32>
        %parallel_loop3A_457 = tpu.vector_load_idx %arg7[%parallel_loop3A_456, %parallel_loop3A_442] : memref<8x1024xf32, #tpu.memory_space<vmem>>[vector<16xi32>, vector<16xi32>], vector<16xf32>,
        %parallel_loop3A_458 = arith.constant 5 : i32
        %parallel_loop3A_459 = vector.broadcast %parallel_loop3A_458 : i32 to vector<16xi32>
        %parallel_loop3A_460 = tpu.vector_load_idx %arg7[%parallel_loop3A_459, %parallel_loop3A_442] : memref<8x1024xf32, #tpu.memory_space<vmem>>[vector<16xi32>, vector<16xi32>], vector<16xf32>,
        %parallel_loop3A_461 = arith.constant 6 : i32
        %parallel_loop3A_462 = vector.broadcast %parallel_loop3A_461 : i32 to vector<16xi32>
        %parallel_loop3A_463 = tpu.vector_load_idx %arg7[%parallel_loop3A_462, %parallel_loop3A_442] : memref<8x1024xf32, #tpu.memory_space<vmem>>[vector<16xi32>, vector<16xi32>], vector<16xf32>,
        %parallel_loop3A_464 = arith.constant 7 : i32
        %parallel_loop3A_465 = vector.broadcast %parallel_loop3A_464 : i32 to vector<16xi32>
        %parallel_loop3A_466 = tpu.vector_load_idx %arg7[%parallel_loop3A_465, %parallel_loop3A_442] : memref<8x1024xf32, #tpu.memory_space<vmem>>[vector<16xi32>, vector<16xi32>], vector<16xf32>,
        %parallel_loop3A_467 = arith.constant 1 : i32
        %parallel_loop3A_468 = arith.subi %parallel_loop3A_429, %parallel_loop3A_467 : i32
        %parallel_loop3A_469 = arith.constant 16 : i32
        %parallel_loop3A_470 = arith.muli %parallel_loop3A_468, %parallel_loop3A_469 : i32
        %parallel_loop3A_471 = tpu.assume_multiple %parallel_loop3A_470, 16 : i32
        %parallel_loop3A_472 = arith.constant 0 : i32
        %parallel_loop3A_473 = arith.index_cast %parallel_loop3A_472 : i32 to index
        %parallel_loop3A_474 = arith.index_cast %parallel_loop3A_471 : i32 to index
        %parallel_loop3A_475 = tpu.vector_load %arg11[%parallel_loop3A_473, %parallel_loop3A_474] {strides = array<i32>} : memref<8x1024xf32, #tpu.memory_space<vmem>>, vector<16xf32>,
        tpu.vector_store %arg11[%parallel_loop3A_473, %parallel_loop3A_474], %parallel_loop3A_430 {strides = array<i32>} : memref<8x1024xf32, #tpu.memory_space<vmem>>, vector<16xf32>,
        %parallel_loop3A_476 = arith.constant 1 : i32
        %parallel_loop3A_477 = arith.index_cast %parallel_loop3A_476 : i32 to index
        %parallel_loop3A_478 = arith.index_cast %parallel_loop3A_471 : i32 to index
        %parallel_loop3A_479 = tpu.vector_load %arg11[%parallel_loop3A_477, %parallel_loop3A_478] {strides = array<i32>} : memref<8x1024xf32, #tpu.memory_space<vmem>>, vector<16xf32>,
        tpu.vector_store %arg11[%parallel_loop3A_477, %parallel_loop3A_478], %parallel_loop3A_431 {strides = array<i32>} : memref<8x1024xf32, #tpu.memory_space<vmem>>, vector<16xf32>,
        %parallel_loop3A_480 = arith.constant 2 : i32
        %parallel_loop3A_481 = arith.index_cast %parallel_loop3A_480 : i32 to index
        %parallel_loop3A_482 = arith.index_cast %parallel_loop3A_471 : i32 to index
        %parallel_loop3A_483 = tpu.vector_load %arg11[%parallel_loop3A_481, %parallel_loop3A_482] {strides = array<i32>} : memref<8x1024xf32, #tpu.memory_space<vmem>>, vector<16xf32>,
        tpu.vector_store %arg11[%parallel_loop3A_481, %parallel_loop3A_482], %parallel_loop3A_432 {strides = array<i32>} : memref<8x1024xf32, #tpu.memory_space<vmem>>, vector<16xf32>,
        %parallel_loop3A_484 = arith.constant 3 : i32
        %parallel_loop3A_485 = arith.index_cast %parallel_loop3A_484 : i32 to index
        %parallel_loop3A_486 = arith.index_cast %parallel_loop3A_471 : i32 to index
        %parallel_loop3A_487 = tpu.vector_load %arg11[%parallel_loop3A_485, %parallel_loop3A_486] {strides = array<i32>} : memref<8x1024xf32, #tpu.memory_space<vmem>>, vector<16xf32>,
        tpu.vector_store %arg11[%parallel_loop3A_485, %parallel_loop3A_486], %parallel_loop3A_433 {strides = array<i32>} : memref<8x1024xf32, #tpu.memory_space<vmem>>, vector<16xf32>,
        %parallel_loop3A_488 = arith.constant 4 : i32
        %parallel_loop3A_489 = arith.index_cast %parallel_loop3A_488 : i32 to index
        %parallel_loop3A_490 = arith.index_cast %parallel_loop3A_471 : i32 to index
        %parallel_loop3A_491 = tpu.vector_load %arg11[%parallel_loop3A_489, %parallel_loop3A_490] {strides = array<i32>} : memref<8x1024xf32, #tpu.memory_space<vmem>>, vector<16xf32>,
        tpu.vector_store %arg11[%parallel_loop3A_489, %parallel_loop3A_490], %parallel_loop3A_434 {strides = array<i32>} : memref<8x1024xf32, #tpu.memory_space<vmem>>, vector<16xf32>,
        %parallel_loop3A_492 = arith.constant 5 : i32
        %parallel_loop3A_493 = arith.index_cast %parallel_loop3A_492 : i32 to index
        %parallel_loop3A_494 = arith.index_cast %parallel_loop3A_471 : i32 to index
        %parallel_loop3A_495 = tpu.vector_load %arg11[%parallel_loop3A_493, %parallel_loop3A_494] {strides = array<i32>} : memref<8x1024xf32, #tpu.memory_space<vmem>>, vector<16xf32>,
        tpu.vector_store %arg11[%parallel_loop3A_493, %parallel_loop3A_494], %parallel_loop3A_435 {strides = array<i32>} : memref<8x1024xf32, #tpu.memory_space<vmem>>, vector<16xf32>,
        %parallel_loop3A_496 = arith.constant 6 : i32
        %parallel_loop3A_497 = arith.index_cast %parallel_loop3A_496 : i32 to index
        %parallel_loop3A_498 = arith.index_cast %parallel_loop3A_471 : i32 to index
        %parallel_loop3A_499 = tpu.vector_load %arg11[%parallel_loop3A_497, %parallel_loop3A_498] {strides = array<i32>} : memref<8x1024xf32, #tpu.memory_space<vmem>>, vector<16xf32>,
        tpu.vector_store %arg11[%parallel_loop3A_497, %parallel_loop3A_498], %parallel_loop3A_436 {strides = array<i32>} : memref<8x1024xf32, #tpu.memory_space<vmem>>, vector<16xf32>,
        %parallel_loop3A_500 = arith.constant 7 : i32
        %parallel_loop3A_501 = arith.index_cast %parallel_loop3A_500 : i32 to index
        %parallel_loop3A_502 = arith.index_cast %parallel_loop3A_471 : i32 to index
        %parallel_loop3A_503 = tpu.vector_load %arg11[%parallel_loop3A_501, %parallel_loop3A_502] {strides = array<i32>} : memref<8x1024xf32, #tpu.memory_space<vmem>>, vector<16xf32>,
        tpu.vector_store %arg11[%parallel_loop3A_501, %parallel_loop3A_502], %parallel_loop3A_437 {strides = array<i32>} : memref<8x1024xf32, #tpu.memory_space<vmem>>, vector<16xf32>,
        scf.yield %parallel_loop3A_445, %parallel_loop3A_448, %parallel_loop3A_451, %parallel_loop3A_454, %parallel_loop3A_457, %parallel_loop3A_460, %parallel_loop3A_463, %parallel_loop3A_466 : vector<16xf32>, vector<16xf32>, vector<16xf32>, vector<16xf32>, vector<16xf32>, vector<16xf32>, vector<16xf32>, vector<16xf32>
      } {sc.loop_unroll_factor = 1 : i64, sc.parallel_access}
      %multiple_of3A_189 = arith.constant 1008 : i32
      %multiple_of3A_190 = tpu.assume_multiple %multiple_of3A_189, 16 : i32
      %swap3A_191 = arith.constant 0 : i32
      %swap3A_192 = arith.index_cast %swap3A_191 : i32 to index
      %swap3A_193 = arith.index_cast %multiple_of3A_190 : i32 to index
      %swap3A_194 = tpu.vector_load %arg11[%swap3A_192, %swap3A_193] {strides = array<i32>} : memref<8x1024xf32, #tpu.memory_space<vmem>>, vector<16xf32>,
      tpu.vector_store %arg11[%swap3A_192, %swap3A_193], %parallel_loop3A_188#0 {strides = array<i32>} : memref<8x1024xf32, #tpu.memory_space<vmem>>, vector<16xf32>,
      %swap3A_195 = arith.constant 1 : i32
      %swap3A_196 = arith.index_cast %swap3A_195 : i32 to index
      %swap3A_197 = arith.index_cast %multiple_of3A_190 : i32 to index
      %swap3A_198 = tpu.vector_load %arg11[%swap3A_196, %swap3A_197] {strides = array<i32>} : memref<8x1024xf32, #tpu.memory_space<vmem>>, vector<16xf32>,
      tpu.vector_store %arg11[%swap3A_196, %swap3A_197], %parallel_loop3A_188#1 {strides = array<i32>} : memref<8x1024xf32, #tpu.memory_space<vmem>>, vector<16xf32>,
      %swap3A_199 = arith.constant 2 : i32
      %swap3A_200 = arith.index_cast %swap3A_199 : i32 to index
      %swap3A_201 = arith.index_cast %multiple_of3A_190 : i32 to index
      %swap3A_202 = tpu.vector_load %arg11[%swap3A_200, %swap3A_201] {strides = array<i32>} : memref<8x1024xf32, #tpu.memory_space<vmem>>, vector<16xf32>,
      tpu.vector_store %arg11[%swap3A_200, %swap3A_201], %parallel_loop3A_188#2 {strides = array<i32>} : memref<8x1024xf32, #tpu.memory_space<vmem>>, vector<16xf32>,
      %swap3A_203 = arith.constant 3 : i32
      %swap3A_204 = arith.index_cast %swap3A_203 : i32 to index
      %swap3A_205 = arith.index_cast %multiple_of3A_190 : i32 to index
      %swap3A_206 = tpu.vector_load %arg11[%swap3A_204, %swap3A_205] {strides = array<i32>} : memref<8x1024xf32, #tpu.memory_space<vmem>>, vector<16xf32>,
      tpu.vector_store %arg11[%swap3A_204, %swap3A_205], %parallel_loop3A_188#3 {strides = array<i32>} : memref<8x1024xf32, #tpu.memory_space<vmem>>, vector<16xf32>,
      %swap3A_207 = arith.constant 4 : i32
      %swap3A_208 = arith.index_cast %swap3A_207 : i32 to index
      %swap3A_209 = arith.index_cast %multiple_of3A_190 : i32 to index
      %swap3A_210 = tpu.vector_load %arg11[%swap3A_208, %swap3A_209] {strides = array<i32>} : memref<8x1024xf32, #tpu.memory_space<vmem>>, vector<16xf32>,
      tpu.vector_store %arg11[%swap3A_208, %swap3A_209], %parallel_loop3A_188#4 {strides = array<i32>} : memref<8x1024xf32, #tpu.memory_space<vmem>>, vector<16xf32>,
      %swap3A_211 = arith.constant 5 : i32
      %swap3A_212 = arith.index_cast %swap3A_211 : i32 to index
      %swap3A_213 = arith.index_cast %multiple_of3A_190 : i32 to index
      %swap3A_214 = tpu.vector_load %arg11[%swap3A_212, %swap3A_213] {strides = array<i32>} : memref<8x1024xf32, #tpu.memory_space<vmem>>, vector<16xf32>,
      tpu.vector_store %arg11[%swap3A_212, %swap3A_213], %parallel_loop3A_188#5 {strides = array<i32>} : memref<8x1024xf32, #tpu.memory_space<vmem>>, vector<16xf32>,
      %swap3A_215 = arith.constant 6 : i32
      %swap3A_216 = arith.index_cast %swap3A_215 : i32 to index
      %swap3A_217 = arith.index_cast %multiple_of3A_190 : i32 to index
      %swap3A_218 = tpu.vector_load %arg11[%swap3A_216, %swap3A_217] {strides = array<i32>} : memref<8x1024xf32, #tpu.memory_space<vmem>>, vector<16xf32>,
      tpu.vector_store %arg11[%swap3A_216, %swap3A_217], %parallel_loop3A_188#6 {strides = array<i32>} : memref<8x1024xf32, #tpu.memory_space<vmem>>, vector<16xf32>,
      %swap3A_219 = arith.constant 7 : i32
      %swap3A_220 = arith.index_cast %swap3A_219 : i32 to index
      %swap3A_221 = arith.index_cast %multiple_of3A_190 : i32 to index
      %swap3A_222 = tpu.vector_load %arg11[%swap3A_220, %swap3A_221] {strides = array<i32>} : memref<8x1024xf32, #tpu.memory_space<vmem>>, vector<16xf32>,
      tpu.vector_store %arg11[%swap3A_220, %swap3A_221], %parallel_loop3A_188#7 {strides = array<i32>} : memref<8x1024xf32, #tpu.memory_space<vmem>>, vector<16xf32>,
      %mul3A_223 = arith.constant 8 : i32
      %mul3A_224 = arith.muli %add3A_144, %mul3A_223 : i32
      %add3A_225 = arith.addi %mul3A_2, %mul3A_224 : i32
      %dma_start3A_226 = arith.constant 0 : i32
      %dma_start3A_227 = tpu.memref_slice %arg4[%add3A_225, %dma_start3A_226] : memref<16384x1024xf32, #tpu.memory_space<hbm>> -> memref<8x1024xf32, #tpu.memory_space<hbm>>
      %dma_start3A_228 = arith.constant 0 : i32
      %dma_start3A_229 = tpu.memref_slice %arg4[%add3A_225, %dma_start3A_228] : memref<16384x1024xf32, #tpu.memory_space<hbm>> -> memref<8x1024xf32, #tpu.memory_space<hbm>>
      tpu.enqueue_dma source(%arg11 : memref<8x1024xf32, #tpu.memory_space<vmem>>) target(%dma_start3A_229 : memref<8x1024xf32, #tpu.memory_space<hbm>>) target_semaphore(%arg19 : memref<!tpu.dma_semaphore, #tpu.memory_space<semaphore_mem>>)
      %add3A_230 = arith.constant 4 : i32
      %add3A_231 = arith.addi %add3A_144, %add3A_230 : i32
      %lt3A_232 = arith.constant 64 : i32
      %lt3A_233 = arith.cmpi slt, %add3A_231, %lt3A_232 : i32
      %convert_element_type3A_234 = arith.extui %lt3A_233 : i1 to i32
      %cond3A_235 = arith.constant 0 : i32
      %cond3A_236 = arith.cmpi ne, %convert_element_type3A_234, %cond3A_235 : i32
      scf.if %cond3A_236 {
        %add3A_429 = arith.constant 4 : i32
        %add3A_430 = arith.addi %add3A_144, %add3A_429 : i32
        %mul3A_431 = arith.constant 8 : i32
        %mul3A_432 = arith.muli %add3A_430, %mul3A_431 : i32
        %add3A_433 = arith.addi %mul3A_2, %mul3A_432 : i32
        %dma_start3A_434 = arith.constant 0 : i32
        %dma_start3A_435 = tpu.memref_slice %arg2[%add3A_433, %dma_start3A_434] : memref<16384x1024xf32, #tpu.memory_space<hbm>> -> memref<8x1024xf32, #tpu.memory_space<hbm>>
        %dma_start3A_436 = arith.constant 0 : i32
        %dma_start3A_437 = tpu.memref_slice %arg2[%add3A_433, %dma_start3A_436] : memref<16384x1024xf32, #tpu.memory_space<hbm>> -> memref<8x1024xf32, #tpu.memory_space<hbm>>
        tpu.enqueue_dma source(%dma_start3A_437 : memref<8x1024xf32, #tpu.memory_space<hbm>>) target(%arg7 : memref<8x1024xf32, #tpu.memory_space<vmem>>) target_semaphore(%arg15 : memref<!tpu.dma_semaphore, #tpu.memory_space<semaphore_mem>>)
      } else {
      }
      %mul3A_237 = arith.constant 4 : i32
      %mul3A_238 = arith.muli %scan3A_54, %mul3A_237 : i32
      %add3A_239 = arith.constant 2 : i32
      %add3A_240 = arith.addi %mul3A_238, %add3A_239 : i32
      %mul3A_241 = arith.constant 8 : i32
      %mul3A_242 = arith.muli %add3A_240, %mul3A_241 : i32
      %add3A_243 = arith.addi %mul3A_2, %mul3A_242 : i32
      %dma_wait3A_244 = arith.constant 0 : i32
      %dma_wait3A_245 = tpu.memref_slice %arg2[%add3A_243, %dma_wait3A_244] : memref<16384x1024xf32, #tpu.memory_space<hbm>> -> memref<8x1024xf32, #tpu.memory_space<hbm>>
      %dma_wait3A_246 = arith.constant 0 : i32
      %dma_wait3A_247 = tpu.memref_slice %arg2[%add3A_243, %dma_wait3A_246] : memref<16384x1024xf32, #tpu.memory_space<hbm>> -> memref<8x1024xf32, #tpu.memory_space<hbm>>
      tpu.wait_dma2 semaphore(%arg16 : memref<!tpu.dma_semaphore, #tpu.memory_space<semaphore_mem>>) src(%dma_wait3A_247 : memref<8x1024xf32, #tpu.memory_space<hbm>>) dst(%arg8 : memref<8x1024xf32, #tpu.memory_space<vmem>>)
      %gt3A_248 = arith.constant 0 : i32
      %gt3A_249 = arith.cmpi sgt, %scan3A_54, %gt3A_248 : i32
      %convert_element_type3A_250 = arith.extui %gt3A_249 : i1 to i32
      %cond3A_251 = arith.constant 0 : i32
      %cond3A_252 = arith.cmpi ne, %convert_element_type3A_250, %cond3A_251 : i32
      scf.if %cond3A_252 {
        %sub3A = arith.constant 4 : i32
        %sub3A_429 = arith.subi %add3A_240, %sub3A : i32
        %mul3A_430 = arith.constant 8 : i32
        %mul3A_431 = arith.muli %sub3A_429, %mul3A_430 : i32
        %add3A_432 = arith.addi %mul3A_2, %mul3A_431 : i32
        %dma_wait3A_433 = arith.constant 0 : i32
        %dma_wait3A_434 = tpu.memref_slice %arg4[%add3A_432, %dma_wait3A_433] : memref<16384x1024xf32, #tpu.memory_space<hbm>> -> memref<8x1024xf32, #tpu.memory_space<hbm>>
        %dma_wait3A_435 = arith.constant 0 : i32
        %dma_wait3A_436 = tpu.memref_slice %arg4[%add3A_432, %dma_wait3A_435] : memref<16384x1024xf32, #tpu.memory_space<hbm>> -> memref<8x1024xf32, #tpu.memory_space<hbm>>
        tpu.wait_dma2 semaphore(%arg20 : memref<!tpu.dma_semaphore, #tpu.memory_space<semaphore_mem>>) src(%arg12 : memref<8x1024xf32, #tpu.memory_space<vmem>>) dst(%dma_wait3A_436 : memref<8x1024xf32, #tpu.memory_space<hbm>>)
      } else {
      }
      %multiple_of3A_253 = arith.constant 0 : i32
      %multiple_of3A_254 = tpu.assume_multiple %multiple_of3A_253, 16 : i32
      %get3A_255 = arith.index_cast %multiple_of3A_254 : i32 to index
      %get3A_256 = tpu.vector_load %arg5[%get3A_255] {strides = array<i32>} : memref<1024xi32, #tpu.memory_space<vmem>>, vector<16xi32>,
      %broadcast_in_dim3A_257 = arith.constant 0 : i32
      %broadcast_in_dim3A_258 = vector.broadcast %broadcast_in_dim3A_257 : i32 to vector<16xi32>
      %gather3A_259 = tpu.vector_load_idx %arg8[%broadcast_in_dim3A_258, %get3A_256] : memref<8x1024xf32, #tpu.memory_space<vmem>>[vector<16xi32>, vector<16xi32>], vector<16xf32>,
      %broadcast_in_dim3A_260 = arith.constant 1 : i32
      %broadcast_in_dim3A_261 = vector.broadcast %broadcast_in_dim3A_260 : i32 to vector<16xi32>
      %gather3A_262 = tpu.vector_load_idx %arg8[%broadcast_in_dim3A_261, %get3A_256] : memref<8x1024xf32, #tpu.memory_space<vmem>>[vector<16xi32>, vector<16xi32>], vector<16xf32>,
      %broadcast_in_dim3A_263 = arith.constant 2 : i32
      %broadcast_in_dim3A_264 = vector.broadcast %broadcast_in_dim3A_263 : i32 to vector<16xi32>
      %gather3A_265 = tpu.vector_load_idx %arg8[%broadcast_in_dim3A_264, %get3A_256] : memref<8x1024xf32, #tpu.memory_space<vmem>>[vector<16xi32>, vector<16xi32>], vector<16xf32>,
      %broadcast_in_dim3A_266 = arith.constant 3 : i32
      %broadcast_in_dim3A_267 = vector.broadcast %broadcast_in_dim3A_266 : i32 to vector<16xi32>
      %gather3A_268 = tpu.vector_load_idx %arg8[%broadcast_in_dim3A_267, %get3A_256] : memref<8x1024xf32, #tpu.memory_space<vmem>>[vector<16xi32>, vector<16xi32>], vector<16xf32>,
      %broadcast_in_dim3A_269 = arith.constant 4 : i32
      %broadcast_in_dim3A_270 = vector.broadcast %broadcast_in_dim3A_269 : i32 to vector<16xi32>
      %gather3A_271 = tpu.vector_load_idx %arg8[%broadcast_in_dim3A_270, %get3A_256] : memref<8x1024xf32, #tpu.memory_space<vmem>>[vector<16xi32>, vector<16xi32>], vector<16xf32>,
      %broadcast_in_dim3A_272 = arith.constant 5 : i32
      %broadcast_in_dim3A_273 = vector.broadcast %broadcast_in_dim3A_272 : i32 to vector<16xi32>
      %gather3A_274 = tpu.vector_load_idx %arg8[%broadcast_in_dim3A_273, %get3A_256] : memref<8x1024xf32, #tpu.memory_space<vmem>>[vector<16xi32>, vector<16xi32>], vector<16xf32>,
      %broadcast_in_dim3A_275 = arith.constant 6 : i32
      %broadcast_in_dim3A_276 = vector.broadcast %broadcast_in_dim3A_275 : i32 to vector<16xi32>
      %gather3A_277 = tpu.vector_load_idx %arg8[%broadcast_in_dim3A_276, %get3A_256] : memref<8x1024xf32, #tpu.memory_space<vmem>>[vector<16xi32>, vector<16xi32>], vector<16xf32>,
      %broadcast_in_dim3A_278 = arith.constant 7 : i32
      %broadcast_in_dim3A_279 = vector.broadcast %broadcast_in_dim3A_278 : i32 to vector<16xi32>
      %gather3A_280 = tpu.vector_load_idx %arg8[%broadcast_in_dim3A_279, %get3A_256] : memref<8x1024xf32, #tpu.memory_space<vmem>>[vector<16xi32>, vector<16xi32>], vector<16xf32>,
      %parallel_loop3A_281 = arith.constant 1 : i32
      %parallel_loop3A_282 = arith.constant 64 : i32
      %parallel_loop3A_283 = arith.constant 1 : i32
      %parallel_loop3A_284:8 = scf.for %parallel_loop3A_429 = %parallel_loop3A_281 to %parallel_loop3A_282 step %parallel_loop3A_283 iter_args(%parallel_loop3A_430 = %gather3A_259, %parallel_loop3A_431 = %gather3A_262, %parallel_loop3A_432 = %gather3A_265, %parallel_loop3A_433 = %gather3A_268, %parallel_loop3A_434 = %gather3A_271, %parallel_loop3A_435 = %gather3A_274, %parallel_loop3A_436 = %gather3A_277, %parallel_loop3A_437 = %gather3A_280) -> (vector<16xf32>, vector<16xf32>, vector<16xf32>, vector<16xf32>, vector<16xf32>, vector<16xf32>, vector<16xf32>, vector<16xf32>)  : i32 {
        %parallel_loop3A_438 = arith.constant 16 : i32
        %parallel_loop3A_439 = arith.muli %parallel_loop3A_429, %parallel_loop3A_438 : i32
        %parallel_loop3A_440 = tpu.assume_multiple %parallel_loop3A_439, 16 : i32
        %parallel_loop3A_441 = arith.index_cast %parallel_loop3A_440 : i32 to index
        %parallel_loop3A_442 = tpu.vector_load %arg5[%parallel_loop3A_441] {strides = array<i32>} : memref<1024xi32, #tpu.memory_space<vmem>>, vector<16xi32>,
        %parallel_loop3A_443 = arith.constant 0 : i32
        %parallel_loop3A_444 = vector.broadcast %parallel_loop3A_443 : i32 to vector<16xi32>
        %parallel_loop3A_445 = tpu.vector_load_idx %arg8[%parallel_loop3A_444, %parallel_loop3A_442] : memref<8x1024xf32, #tpu.memory_space<vmem>>[vector<16xi32>, vector<16xi32>], vector<16xf32>,
        %parallel_loop3A_446 = arith.constant 1 : i32
        %parallel_loop3A_447 = vector.broadcast %parallel_loop3A_446 : i32 to vector<16xi32>
        %parallel_loop3A_448 = tpu.vector_load_idx %arg8[%parallel_loop3A_447, %parallel_loop3A_442] : memref<8x1024xf32, #tpu.memory_space<vmem>>[vector<16xi32>, vector<16xi32>], vector<16xf32>,
        %parallel_loop3A_449 = arith.constant 2 : i32
        %parallel_loop3A_450 = vector.broadcast %parallel_loop3A_449 : i32 to vector<16xi32>
        %parallel_loop3A_451 = tpu.vector_load_idx %arg8[%parallel_loop3A_450, %parallel_loop3A_442] : memref<8x1024xf32, #tpu.memory_space<vmem>>[vector<16xi32>, vector<16xi32>], vector<16xf32>,
        %parallel_loop3A_452 = arith.constant 3 : i32
        %parallel_loop3A_453 = vector.broadcast %parallel_loop3A_452 : i32 to vector<16xi32>
        %parallel_loop3A_454 = tpu.vector_load_idx %arg8[%parallel_loop3A_453, %parallel_loop3A_442] : memref<8x1024xf32, #tpu.memory_space<vmem>>[vector<16xi32>, vector<16xi32>], vector<16xf32>,
        %parallel_loop3A_455 = arith.constant 4 : i32
        %parallel_loop3A_456 = vector.broadcast %parallel_loop3A_455 : i32 to vector<16xi32>
        %parallel_loop3A_457 = tpu.vector_load_idx %arg8[%parallel_loop3A_456, %parallel_loop3A_442] : memref<8x1024xf32, #tpu.memory_space<vmem>>[vector<16xi32>, vector<16xi32>], vector<16xf32>,
        %parallel_loop3A_458 = arith.constant 5 : i32
        %parallel_loop3A_459 = vector.broadcast %parallel_loop3A_458 : i32 to vector<16xi32>
        %parallel_loop3A_460 = tpu.vector_load_idx %arg8[%parallel_loop3A_459, %parallel_loop3A_442] : memref<8x1024xf32, #tpu.memory_space<vmem>>[vector<16xi32>, vector<16xi32>], vector<16xf32>,
        %parallel_loop3A_461 = arith.constant 6 : i32
        %parallel_loop3A_462 = vector.broadcast %parallel_loop3A_461 : i32 to vector<16xi32>
        %parallel_loop3A_463 = tpu.vector_load_idx %arg8[%parallel_loop3A_462, %parallel_loop3A_442] : memref<8x1024xf32, #tpu.memory_space<vmem>>[vector<16xi32>, vector<16xi32>], vector<16xf32>,
        %parallel_loop3A_464 = arith.constant 7 : i32
        %parallel_loop3A_465 = vector.broadcast %parallel_loop3A_464 : i32 to vector<16xi32>
        %parallel_loop3A_466 = tpu.vector_load_idx %arg8[%parallel_loop3A_465, %parallel_loop3A_442] : memref<8x1024xf32, #tpu.memory_space<vmem>>[vector<16xi32>, vector<16xi32>], vector<16xf32>,
        %parallel_loop3A_467 = arith.constant 1 : i32
        %parallel_loop3A_468 = arith.subi %parallel_loop3A_429, %parallel_loop3A_467 : i32
        %parallel_loop3A_469 = arith.constant 16 : i32
        %parallel_loop3A_470 = arith.muli %parallel_loop3A_468, %parallel_loop3A_469 : i32
        %parallel_loop3A_471 = tpu.assume_multiple %parallel_loop3A_470, 16 : i32
        %parallel_loop3A_472 = arith.constant 0 : i32
        %parallel_loop3A_473 = arith.index_cast %parallel_loop3A_472 : i32 to index
        %parallel_loop3A_474 = arith.index_cast %parallel_loop3A_471 : i32 to index
        %parallel_loop3A_475 = tpu.vector_load %arg12[%parallel_loop3A_473, %parallel_loop3A_474] {strides = array<i32>} : memref<8x1024xf32, #tpu.memory_space<vmem>>, vector<16xf32>,
        tpu.vector_store %arg12[%parallel_loop3A_473, %parallel_loop3A_474], %parallel_loop3A_430 {strides = array<i32>} : memref<8x1024xf32, #tpu.memory_space<vmem>>, vector<16xf32>,
        %parallel_loop3A_476 = arith.constant 1 : i32
        %parallel_loop3A_477 = arith.index_cast %parallel_loop3A_476 : i32 to index
        %parallel_loop3A_478 = arith.index_cast %parallel_loop3A_471 : i32 to index
        %parallel_loop3A_479 = tpu.vector_load %arg12[%parallel_loop3A_477, %parallel_loop3A_478] {strides = array<i32>} : memref<8x1024xf32, #tpu.memory_space<vmem>>, vector<16xf32>,
        tpu.vector_store %arg12[%parallel_loop3A_477, %parallel_loop3A_478], %parallel_loop3A_431 {strides = array<i32>} : memref<8x1024xf32, #tpu.memory_space<vmem>>, vector<16xf32>,
        %parallel_loop3A_480 = arith.constant 2 : i32
        %parallel_loop3A_481 = arith.index_cast %parallel_loop3A_480 : i32 to index
        %parallel_loop3A_482 = arith.index_cast %parallel_loop3A_471 : i32 to index
        %parallel_loop3A_483 = tpu.vector_load %arg12[%parallel_loop3A_481, %parallel_loop3A_482] {strides = array<i32>} : memref<8x1024xf32, #tpu.memory_space<vmem>>, vector<16xf32>,
        tpu.vector_store %arg12[%parallel_loop3A_481, %parallel_loop3A_482], %parallel_loop3A_432 {strides = array<i32>} : memref<8x1024xf32, #tpu.memory_space<vmem>>, vector<16xf32>,
        %parallel_loop3A_484 = arith.constant 3 : i32
        %parallel_loop3A_485 = arith.index_cast %parallel_loop3A_484 : i32 to index
        %parallel_loop3A_486 = arith.index_cast %parallel_loop3A_471 : i32 to index
        %parallel_loop3A_487 = tpu.vector_load %arg12[%parallel_loop3A_485, %parallel_loop3A_486] {strides = array<i32>} : memref<8x1024xf32, #tpu.memory_space<vmem>>, vector<16xf32>,
        tpu.vector_store %arg12[%parallel_loop3A_485, %parallel_loop3A_486], %parallel_loop3A_433 {strides = array<i32>} : memref<8x1024xf32, #tpu.memory_space<vmem>>, vector<16xf32>,
        %parallel_loop3A_488 = arith.constant 4 : i32
        %parallel_loop3A_489 = arith.index_cast %parallel_loop3A_488 : i32 to index
        %parallel_loop3A_490 = arith.index_cast %parallel_loop3A_471 : i32 to index
        %parallel_loop3A_491 = tpu.vector_load %arg12[%parallel_loop3A_489, %parallel_loop3A_490] {strides = array<i32>} : memref<8x1024xf32, #tpu.memory_space<vmem>>, vector<16xf32>,
        tpu.vector_store %arg12[%parallel_loop3A_489, %parallel_loop3A_490], %parallel_loop3A_434 {strides = array<i32>} : memref<8x1024xf32, #tpu.memory_space<vmem>>, vector<16xf32>,
        %parallel_loop3A_492 = arith.constant 5 : i32
        %parallel_loop3A_493 = arith.index_cast %parallel_loop3A_492 : i32 to index
        %parallel_loop3A_494 = arith.index_cast %parallel_loop3A_471 : i32 to index
        %parallel_loop3A_495 = tpu.vector_load %arg12[%parallel_loop3A_493, %parallel_loop3A_494] {strides = array<i32>} : memref<8x1024xf32, #tpu.memory_space<vmem>>, vector<16xf32>,
        tpu.vector_store %arg12[%parallel_loop3A_493, %parallel_loop3A_494], %parallel_loop3A_435 {strides = array<i32>} : memref<8x1024xf32, #tpu.memory_space<vmem>>, vector<16xf32>,
        %parallel_loop3A_496 = arith.constant 6 : i32
        %parallel_loop3A_497 = arith.index_cast %parallel_loop3A_496 : i32 to index
        %parallel_loop3A_498 = arith.index_cast %parallel_loop3A_471 : i32 to index
        %parallel_loop3A_499 = tpu.vector_load %arg12[%parallel_loop3A_497, %parallel_loop3A_498] {strides = array<i32>} : memref<8x1024xf32, #tpu.memory_space<vmem>>, vector<16xf32>,
        tpu.vector_store %arg12[%parallel_loop3A_497, %parallel_loop3A_498], %parallel_loop3A_436 {strides = array<i32>} : memref<8x1024xf32, #tpu.memory_space<vmem>>, vector<16xf32>,
        %parallel_loop3A_500 = arith.constant 7 : i32
        %parallel_loop3A_501 = arith.index_cast %parallel_loop3A_500 : i32 to index
        %parallel_loop3A_502 = arith.index_cast %parallel_loop3A_471 : i32 to index
        %parallel_loop3A_503 = tpu.vector_load %arg12[%parallel_loop3A_501, %parallel_loop3A_502] {strides = array<i32>} : memref<8x1024xf32, #tpu.memory_space<vmem>>, vector<16xf32>,
        tpu.vector_store %arg12[%parallel_loop3A_501, %parallel_loop3A_502], %parallel_loop3A_437 {strides = array<i32>} : memref<8x1024xf32, #tpu.memory_space<vmem>>, vector<16xf32>,
        scf.yield %parallel_loop3A_445, %parallel_loop3A_448, %parallel_loop3A_451, %parallel_loop3A_454, %parallel_loop3A_457, %parallel_loop3A_460, %parallel_loop3A_463, %parallel_loop3A_466 : vector<16xf32>, vector<16xf32>, vector<16xf32>, vector<16xf32>, vector<16xf32>, vector<16xf32>, vector<16xf32>, vector<16xf32>
      } {sc.loop_unroll_factor = 1 : i64, sc.parallel_access}
      %multiple_of3A_285 = arith.constant 1008 : i32
      %multiple_of3A_286 = tpu.assume_multiple %multiple_of3A_285, 16 : i32
      %swap3A_287 = arith.constant 0 : i32
      %swap3A_288 = arith.index_cast %swap3A_287 : i32 to index
      %swap3A_289 = arith.index_cast %multiple_of3A_286 : i32 to index
      %swap3A_290 = tpu.vector_load %arg12[%swap3A_288, %swap3A_289] {strides = array<i32>} : memref<8x1024xf32, #tpu.memory_space<vmem>>, vector<16xf32>,
      tpu.vector_store %arg12[%swap3A_288, %swap3A_289], %parallel_loop3A_284#0 {strides = array<i32>} : memref<8x1024xf32, #tpu.memory_space<vmem>>, vector<16xf32>,
      %swap3A_291 = arith.constant 1 : i32
      %swap3A_292 = arith.index_cast %swap3A_291 : i32 to index
      %swap3A_293 = arith.index_cast %multiple_of3A_286 : i32 to index
      %swap3A_294 = tpu.vector_load %arg12[%swap3A_292, %swap3A_293] {strides = array<i32>} : memref<8x1024xf32, #tpu.memory_space<vmem>>, vector<16xf32>,
      tpu.vector_store %arg12[%swap3A_292, %swap3A_293], %parallel_loop3A_284#1 {strides = array<i32>} : memref<8x1024xf32, #tpu.memory_space<vmem>>, vector<16xf32>,
      %swap3A_295 = arith.constant 2 : i32
      %swap3A_296 = arith.index_cast %swap3A_295 : i32 to index
      %swap3A_297 = arith.index_cast %multiple_of3A_286 : i32 to index
      %swap3A_298 = tpu.vector_load %arg12[%swap3A_296, %swap3A_297] {strides = array<i32>} : memref<8x1024xf32, #tpu.memory_space<vmem>>, vector<16xf32>,
      tpu.vector_store %arg12[%swap3A_296, %swap3A_297], %parallel_loop3A_284#2 {strides = array<i32>} : memref<8x1024xf32, #tpu.memory_space<vmem>>, vector<16xf32>,
      %swap3A_299 = arith.constant 3 : i32
      %swap3A_300 = arith.index_cast %swap3A_299 : i32 to index
      %swap3A_301 = arith.index_cast %multiple_of3A_286 : i32 to index
      %swap3A_302 = tpu.vector_load %arg12[%swap3A_300, %swap3A_301] {strides = array<i32>} : memref<8x1024xf32, #tpu.memory_space<vmem>>, vector<16xf32>,
      tpu.vector_store %arg12[%swap3A_300, %swap3A_301], %parallel_loop3A_284#3 {strides = array<i32>} : memref<8x1024xf32, #tpu.memory_space<vmem>>, vector<16xf32>,
      %swap3A_303 = arith.constant 4 : i32
      %swap3A_304 = arith.index_cast %swap3A_303 : i32 to index
      %swap3A_305 = arith.index_cast %multiple_of3A_286 : i32 to index
      %swap3A_306 = tpu.vector_load %arg12[%swap3A_304, %swap3A_305] {strides = array<i32>} : memref<8x1024xf32, #tpu.memory_space<vmem>>, vector<16xf32>,
      tpu.vector_store %arg12[%swap3A_304, %swap3A_305], %parallel_loop3A_284#4 {strides = array<i32>} : memref<8x1024xf32, #tpu.memory_space<vmem>>, vector<16xf32>,
      %swap3A_307 = arith.constant 5 : i32
      %swap3A_308 = arith.index_cast %swap3A_307 : i32 to index
      %swap3A_309 = arith.index_cast %multiple_of3A_286 : i32 to index
      %swap3A_310 = tpu.vector_load %arg12[%swap3A_308, %swap3A_309] {strides = array<i32>} : memref<8x1024xf32, #tpu.memory_space<vmem>>, vector<16xf32>,
      tpu.vector_store %arg12[%swap3A_308, %swap3A_309], %parallel_loop3A_284#5 {strides = array<i32>} : memref<8x1024xf32, #tpu.memory_space<vmem>>, vector<16xf32>,
      %swap3A_311 = arith.constant 6 : i32
      %swap3A_312 = arith.index_cast %swap3A_311 : i32 to index
      %swap3A_313 = arith.index_cast %multiple_of3A_286 : i32 to index
      %swap3A_314 = tpu.vector_load %arg12[%swap3A_312, %swap3A_313] {strides = array<i32>} : memref<8x1024xf32, #tpu.memory_space<vmem>>, vector<16xf32>,
      tpu.vector_store %arg12[%swap3A_312, %swap3A_313], %parallel_loop3A_284#6 {strides = array<i32>} : memref<8x1024xf32, #tpu.memory_space<vmem>>, vector<16xf32>,
      %swap3A_315 = arith.constant 7 : i32
      %swap3A_316 = arith.index_cast %swap3A_315 : i32 to index
      %swap3A_317 = arith.index_cast %multiple_of3A_286 : i32 to index
      %swap3A_318 = tpu.vector_load %arg12[%swap3A_316, %swap3A_317] {strides = array<i32>} : memref<8x1024xf32, #tpu.memory_space<vmem>>, vector<16xf32>,
      tpu.vector_store %arg12[%swap3A_316, %swap3A_317], %parallel_loop3A_284#7 {strides = array<i32>} : memref<8x1024xf32, #tpu.memory_space<vmem>>, vector<16xf32>,
      %mul3A_319 = arith.constant 8 : i32
      %mul3A_320 = arith.muli %add3A_240, %mul3A_319 : i32
      %add3A_321 = arith.addi %mul3A_2, %mul3A_320 : i32
      %dma_start3A_322 = arith.constant 0 : i32
      %dma_start3A_323 = tpu.memref_slice %arg4[%add3A_321, %dma_start3A_322] : memref<16384x1024xf32, #tpu.memory_space<hbm>> -> memref<8x1024xf32, #tpu.memory_space<hbm>>
      %dma_start3A_324 = arith.constant 0 : i32
      %dma_start3A_325 = tpu.memref_slice %arg4[%add3A_321, %dma_start3A_324] : memref<16384x1024xf32, #tpu.memory_space<hbm>> -> memref<8x1024xf32, #tpu.memory_space<hbm>>
      tpu.enqueue_dma source(%arg12 : memref<8x1024xf32, #tpu.memory_space<vmem>>) target(%dma_start3A_325 : memref<8x1024xf32, #tpu.memory_space<hbm>>) target_semaphore(%arg20 : memref<!tpu.dma_semaphore, #tpu.memory_space<semaphore_mem>>)
      %add3A_326 = arith.constant 4 : i32
      %add3A_327 = arith.addi %add3A_240, %add3A_326 : i32
      %lt3A_328 = arith.constant 64 : i32
      %lt3A_329 = arith.cmpi slt, %add3A_327, %lt3A_328 : i32
      %convert_element_type3A_330 = arith.extui %lt3A_329 : i1 to i32
      %cond3A_331 = arith.constant 0 : i32
      %cond3A_332 = arith.cmpi ne, %convert_element_type3A_330, %cond3A_331 : i32
      scf.if %cond3A_332 {
        %add3A_429 = arith.constant 4 : i32
        %add3A_430 = arith.addi %add3A_240, %add3A_429 : i32
        %mul3A_431 = arith.constant 8 : i32
        %mul3A_432 = arith.muli %add3A_430, %mul3A_431 : i32
        %add3A_433 = arith.addi %mul3A_2, %mul3A_432 : i32
        %dma_start3A_434 = arith.constant 0 : i32
        %dma_start3A_435 = tpu.memref_slice %arg2[%add3A_433, %dma_start3A_434] : memref<16384x1024xf32, #tpu.memory_space<hbm>> -> memref<8x1024xf32, #tpu.memory_space<hbm>>
        %dma_start3A_436 = arith.constant 0 : i32
        %dma_start3A_437 = tpu.memref_slice %arg2[%add3A_433, %dma_start3A_436] : memref<16384x1024xf32, #tpu.memory_space<hbm>> -> memref<8x1024xf32, #tpu.memory_space<hbm>>
        tpu.enqueue_dma source(%dma_start3A_437 : memref<8x1024xf32, #tpu.memory_space<hbm>>) target(%arg8 : memref<8x1024xf32, #tpu.memory_space<vmem>>) target_semaphore(%arg16 : memref<!tpu.dma_semaphore, #tpu.memory_space<semaphore_mem>>)
      } else {
      }
      %mul3A_333 = arith.constant 4 : i32
      %mul3A_334 = arith.muli %scan3A_54, %mul3A_333 : i32
      %add3A_335 = arith.constant 3 : i32
      %add3A_336 = arith.addi %mul3A_334, %add3A_335 : i32
      %mul3A_337 = arith.constant 8 : i32
      %mul3A_338 = arith.muli %add3A_336, %mul3A_337 : i32
      %add3A_339 = arith.addi %mul3A_2, %mul3A_338 : i32
      %dma_wait3A_340 = arith.constant 0 : i32
      %dma_wait3A_341 = tpu.memref_slice %arg2[%add3A_339, %dma_wait3A_340] : memref<16384x1024xf32, #tpu.memory_space<hbm>> -> memref<8x1024xf32, #tpu.memory_space<hbm>>
      %dma_wait3A_342 = arith.constant 0 : i32
      %dma_wait3A_343 = tpu.memref_slice %arg2[%add3A_339, %dma_wait3A_342] : memref<16384x1024xf32, #tpu.memory_space<hbm>> -> memref<8x1024xf32, #tpu.memory_space<hbm>>
      tpu.wait_dma2 semaphore(%arg17 : memref<!tpu.dma_semaphore, #tpu.memory_space<semaphore_mem>>) src(%dma_wait3A_343 : memref<8x1024xf32, #tpu.memory_space<hbm>>) dst(%arg9 : memref<8x1024xf32, #tpu.memory_space<vmem>>)
      %gt3A_344 = arith.constant 0 : i32
      %gt3A_345 = arith.cmpi sgt, %scan3A_54, %gt3A_344 : i32
      %convert_element_type3A_346 = arith.extui %gt3A_345 : i1 to i32
      %cond3A_347 = arith.constant 0 : i32
      %cond3A_348 = arith.cmpi ne, %convert_element_type3A_346, %cond3A_347 : i32
      scf.if %cond3A_348 {
        %sub3A = arith.constant 4 : i32
        %sub3A_429 = arith.subi %add3A_336, %sub3A : i32
        %mul3A_430 = arith.constant 8 : i32
        %mul3A_431 = arith.muli %sub3A_429, %mul3A_430 : i32
        %add3A_432 = arith.addi %mul3A_2, %mul3A_431 : i32
        %dma_wait3A_433 = arith.constant 0 : i32
        %dma_wait3A_434 = tpu.memref_slice %arg4[%add3A_432, %dma_wait3A_433] : memref<16384x1024xf32, #tpu.memory_space<hbm>> -> memref<8x1024xf32, #tpu.memory_space<hbm>>
        %dma_wait3A_435 = arith.constant 0 : i32
        %dma_wait3A_436 = tpu.memref_slice %arg4[%add3A_432, %dma_wait3A_435] : memref<16384x1024xf32, #tpu.memory_space<hbm>> -> memref<8x1024xf32, #tpu.memory_space<hbm>>
        tpu.wait_dma2 semaphore(%arg21 : memref<!tpu.dma_semaphore, #tpu.memory_space<semaphore_mem>>) src(%arg13 : memref<8x1024xf32, #tpu.memory_space<vmem>>) dst(%dma_wait3A_436 : memref<8x1024xf32, #tpu.memory_space<hbm>>)
      } else {
      }
      %multiple_of3A_349 = arith.constant 0 : i32
      %multiple_of3A_350 = tpu.assume_multiple %multiple_of3A_349, 16 : i32
      %get3A_351 = arith.index_cast %multiple_of3A_350 : i32 to index
      %get3A_352 = tpu.vector_load %arg5[%get3A_351] {strides = array<i32>} : memref<1024xi32, #tpu.memory_space<vmem>>, vector<16xi32>,
      %broadcast_in_dim3A_353 = arith.constant 0 : i32
      %broadcast_in_dim3A_354 = vector.broadcast %broadcast_in_dim3A_353 : i32 to vector<16xi32>
      %gather3A_355 = tpu.vector_load_idx %arg9[%broadcast_in_dim3A_354, %get3A_352] : memref<8x1024xf32, #tpu.memory_space<vmem>>[vector<16xi32>, vector<16xi32>], vector<16xf32>,
      %broadcast_in_dim3A_356 = arith.constant 1 : i32
      %broadcast_in_dim3A_357 = vector.broadcast %broadcast_in_dim3A_356 : i32 to vector<16xi32>
      %gather3A_358 = tpu.vector_load_idx %arg9[%broadcast_in_dim3A_357, %get3A_352] : memref<8x1024xf32, #tpu.memory_space<vmem>>[vector<16xi32>, vector<16xi32>], vector<16xf32>,
      %broadcast_in_dim3A_359 = arith.constant 2 : i32
      %broadcast_in_dim3A_360 = vector.broadcast %broadcast_in_dim3A_359 : i32 to vector<16xi32>
      %gather3A_361 = tpu.vector_load_idx %arg9[%broadcast_in_dim3A_360, %get3A_352] : memref<8x1024xf32, #tpu.memory_space<vmem>>[vector<16xi32>, vector<16xi32>], vector<16xf32>,
      %broadcast_in_dim3A_362 = arith.constant 3 : i32
      %broadcast_in_dim3A_363 = vector.broadcast %broadcast_in_dim3A_362 : i32 to vector<16xi32>
      %gather3A_364 = tpu.vector_load_idx %arg9[%broadcast_in_dim3A_363, %get3A_352] : memref<8x1024xf32, #tpu.memory_space<vmem>>[vector<16xi32>, vector<16xi32>], vector<16xf32>,
      %broadcast_in_dim3A_365 = arith.constant 4 : i32
      %broadcast_in_dim3A_366 = vector.broadcast %broadcast_in_dim3A_365 : i32 to vector<16xi32>
      %gather3A_367 = tpu.vector_load_idx %arg9[%broadcast_in_dim3A_366, %get3A_352] : memref<8x1024xf32, #tpu.memory_space<vmem>>[vector<16xi32>, vector<16xi32>], vector<16xf32>,
      %broadcast_in_dim3A_368 = arith.constant 5 : i32
      %broadcast_in_dim3A_369 = vector.broadcast %broadcast_in_dim3A_368 : i32 to vector<16xi32>
      %gather3A_370 = tpu.vector_load_idx %arg9[%broadcast_in_dim3A_369, %get3A_352] : memref<8x1024xf32, #tpu.memory_space<vmem>>[vector<16xi32>, vector<16xi32>], vector<16xf32>,
      %broadcast_in_dim3A_371 = arith.constant 6 : i32
      %broadcast_in_dim3A_372 = vector.broadcast %broadcast_in_dim3A_371 : i32 to vector<16xi32>
      %gather3A_373 = tpu.vector_load_idx %arg9[%broadcast_in_dim3A_372, %get3A_352] : memref<8x1024xf32, #tpu.memory_space<vmem>>[vector<16xi32>, vector<16xi32>], vector<16xf32>,
      %broadcast_in_dim3A_374 = arith.constant 7 : i32
      %broadcast_in_dim3A_375 = vector.broadcast %broadcast_in_dim3A_374 : i32 to vector<16xi32>
      %gather3A_376 = tpu.vector_load_idx %arg9[%broadcast_in_dim3A_375, %get3A_352] : memref<8x1024xf32, #tpu.memory_space<vmem>>[vector<16xi32>, vector<16xi32>], vector<16xf32>,
      %parallel_loop3A_377 = arith.constant 1 : i32
      %parallel_loop3A_378 = arith.constant 64 : i32
      %parallel_loop3A_379 = arith.constant 1 : i32
      %parallel_loop3A_380:8 = scf.for %parallel_loop3A_429 = %parallel_loop3A_377 to %parallel_loop3A_378 step %parallel_loop3A_379 iter_args(%parallel_loop3A_430 = %gather3A_355, %parallel_loop3A_431 = %gather3A_358, %parallel_loop3A_432 = %gather3A_361, %parallel_loop3A_433 = %gather3A_364, %parallel_loop3A_434 = %gather3A_367, %parallel_loop3A_435 = %gather3A_370, %parallel_loop3A_436 = %gather3A_373, %parallel_loop3A_437 = %gather3A_376) -> (vector<16xf32>, vector<16xf32>, vector<16xf32>, vector<16xf32>, vector<16xf32>, vector<16xf32>, vector<16xf32>, vector<16xf32>)  : i32 {
        %parallel_loop3A_438 = arith.constant 16 : i32
        %parallel_loop3A_439 = arith.muli %parallel_loop3A_429, %parallel_loop3A_438 : i32
        %parallel_loop3A_440 = tpu.assume_multiple %parallel_loop3A_439, 16 : i32
        %parallel_loop3A_441 = arith.index_cast %parallel_loop3A_440 : i32 to index
        %parallel_loop3A_442 = tpu.vector_load %arg5[%parallel_loop3A_441] {strides = array<i32>} : memref<1024xi32, #tpu.memory_space<vmem>>, vector<16xi32>,
        %parallel_loop3A_443 = arith.constant 0 : i32
        %parallel_loop3A_444 = vector.broadcast %parallel_loop3A_443 : i32 to vector<16xi32>
        %parallel_loop3A_445 = tpu.vector_load_idx %arg9[%parallel_loop3A_444, %parallel_loop3A_442] : memref<8x1024xf32, #tpu.memory_space<vmem>>[vector<16xi32>, vector<16xi32>], vector<16xf32>,
        %parallel_loop3A_446 = arith.constant 1 : i32
        %parallel_loop3A_447 = vector.broadcast %parallel_loop3A_446 : i32 to vector<16xi32>
        %parallel_loop3A_448 = tpu.vector_load_idx %arg9[%parallel_loop3A_447, %parallel_loop3A_442] : memref<8x1024xf32, #tpu.memory_space<vmem>>[vector<16xi32>, vector<16xi32>], vector<16xf32>,
        %parallel_loop3A_449 = arith.constant 2 : i32
        %parallel_loop3A_450 = vector.broadcast %parallel_loop3A_449 : i32 to vector<16xi32>
        %parallel_loop3A_451 = tpu.vector_load_idx %arg9[%parallel_loop3A_450, %parallel_loop3A_442] : memref<8x1024xf32, #tpu.memory_space<vmem>>[vector<16xi32>, vector<16xi32>], vector<16xf32>,
        %parallel_loop3A_452 = arith.constant 3 : i32
        %parallel_loop3A_453 = vector.broadcast %parallel_loop3A_452 : i32 to vector<16xi32>
        %parallel_loop3A_454 = tpu.vector_load_idx %arg9[%parallel_loop3A_453, %parallel_loop3A_442] : memref<8x1024xf32, #tpu.memory_space<vmem>>[vector<16xi32>, vector<16xi32>], vector<16xf32>,
        %parallel_loop3A_455 = arith.constant 4 : i32
        %parallel_loop3A_456 = vector.broadcast %parallel_loop3A_455 : i32 to vector<16xi32>
        %parallel_loop3A_457 = tpu.vector_load_idx %arg9[%parallel_loop3A_456, %parallel_loop3A_442] : memref<8x1024xf32, #tpu.memory_space<vmem>>[vector<16xi32>, vector<16xi32>], vector<16xf32>,
        %parallel_loop3A_458 = arith.constant 5 : i32
        %parallel_loop3A_459 = vector.broadcast %parallel_loop3A_458 : i32 to vector<16xi32>
        %parallel_loop3A_460 = tpu.vector_load_idx %arg9[%parallel_loop3A_459, %parallel_loop3A_442] : memref<8x1024xf32, #tpu.memory_space<vmem>>[vector<16xi32>, vector<16xi32>], vector<16xf32>,
        %parallel_loop3A_461 = arith.constant 6 : i32
        %parallel_loop3A_462 = vector.broadcast %parallel_loop3A_461 : i32 to vector<16xi32>
        %parallel_loop3A_463 = tpu.vector_load_idx %arg9[%parallel_loop3A_462, %parallel_loop3A_442] : memref<8x1024xf32, #tpu.memory_space<vmem>>[vector<16xi32>, vector<16xi32>], vector<16xf32>,
        %parallel_loop3A_464 = arith.constant 7 : i32
        %parallel_loop3A_465 = vector.broadcast %parallel_loop3A_464 : i32 to vector<16xi32>
        %parallel_loop3A_466 = tpu.vector_load_idx %arg9[%parallel_loop3A_465, %parallel_loop3A_442] : memref<8x1024xf32, #tpu.memory_space<vmem>>[vector<16xi32>, vector<16xi32>], vector<16xf32>,
        %parallel_loop3A_467 = arith.constant 1 : i32
        %parallel_loop3A_468 = arith.subi %parallel_loop3A_429, %parallel_loop3A_467 : i32
        %parallel_loop3A_469 = arith.constant 16 : i32
        %parallel_loop3A_470 = arith.muli %parallel_loop3A_468, %parallel_loop3A_469 : i32
        %parallel_loop3A_471 = tpu.assume_multiple %parallel_loop3A_470, 16 : i32
        %parallel_loop3A_472 = arith.constant 0 : i32
        %parallel_loop3A_473 = arith.index_cast %parallel_loop3A_472 : i32 to index
        %parallel_loop3A_474 = arith.index_cast %parallel_loop3A_471 : i32 to index
        %parallel_loop3A_475 = tpu.vector_load %arg13[%parallel_loop3A_473, %parallel_loop3A_474] {strides = array<i32>} : memref<8x1024xf32, #tpu.memory_space<vmem>>, vector<16xf32>,
        tpu.vector_store %arg13[%parallel_loop3A_473, %parallel_loop3A_474], %parallel_loop3A_430 {strides = array<i32>} : memref<8x1024xf32, #tpu.memory_space<vmem>>, vector<16xf32>,
        %parallel_loop3A_476 = arith.constant 1 : i32
        %parallel_loop3A_477 = arith.index_cast %parallel_loop3A_476 : i32 to index
        %parallel_loop3A_478 = arith.index_cast %parallel_loop3A_471 : i32 to index
        %parallel_loop3A_479 = tpu.vector_load %arg13[%parallel_loop3A_477, %parallel_loop3A_478] {strides = array<i32>} : memref<8x1024xf32, #tpu.memory_space<vmem>>, vector<16xf32>,
        tpu.vector_store %arg13[%parallel_loop3A_477, %parallel_loop3A_478], %parallel_loop3A_431 {strides = array<i32>} : memref<8x1024xf32, #tpu.memory_space<vmem>>, vector<16xf32>,
        %parallel_loop3A_480 = arith.constant 2 : i32
        %parallel_loop3A_481 = arith.index_cast %parallel_loop3A_480 : i32 to index
        %parallel_loop3A_482 = arith.index_cast %parallel_loop3A_471 : i32 to index
        %parallel_loop3A_483 = tpu.vector_load %arg13[%parallel_loop3A_481, %parallel_loop3A_482] {strides = array<i32>} : memref<8x1024xf32, #tpu.memory_space<vmem>>, vector<16xf32>,
        tpu.vector_store %arg13[%parallel_loop3A_481, %parallel_loop3A_482], %parallel_loop3A_432 {strides = array<i32>} : memref<8x1024xf32, #tpu.memory_space<vmem>>, vector<16xf32>,
        %parallel_loop3A_484 = arith.constant 3 : i32
        %parallel_loop3A_485 = arith.index_cast %parallel_loop3A_484 : i32 to index
        %parallel_loop3A_486 = arith.index_cast %parallel_loop3A_471 : i32 to index
        %parallel_loop3A_487 = tpu.vector_load %arg13[%parallel_loop3A_485, %parallel_loop3A_486] {strides = array<i32>} : memref<8x1024xf32, #tpu.memory_space<vmem>>, vector<16xf32>,
        tpu.vector_store %arg13[%parallel_loop3A_485, %parallel_loop3A_486], %parallel_loop3A_433 {strides = array<i32>} : memref<8x1024xf32, #tpu.memory_space<vmem>>, vector<16xf32>,
        %parallel_loop3A_488 = arith.constant 4 : i32
        %parallel_loop3A_489 = arith.index_cast %parallel_loop3A_488 : i32 to index
        %parallel_loop3A_490 = arith.index_cast %parallel_loop3A_471 : i32 to index
        %parallel_loop3A_491 = tpu.vector_load %arg13[%parallel_loop3A_489, %parallel_loop3A_490] {strides = array<i32>} : memref<8x1024xf32, #tpu.memory_space<vmem>>, vector<16xf32>,
        tpu.vector_store %arg13[%parallel_loop3A_489, %parallel_loop3A_490], %parallel_loop3A_434 {strides = array<i32>} : memref<8x1024xf32, #tpu.memory_space<vmem>>, vector<16xf32>,
        %parallel_loop3A_492 = arith.constant 5 : i32
        %parallel_loop3A_493 = arith.index_cast %parallel_loop3A_492 : i32 to index
        %parallel_loop3A_494 = arith.index_cast %parallel_loop3A_471 : i32 to index
        %parallel_loop3A_495 = tpu.vector_load %arg13[%parallel_loop3A_493, %parallel_loop3A_494] {strides = array<i32>} : memref<8x1024xf32, #tpu.memory_space<vmem>>, vector<16xf32>,
        tpu.vector_store %arg13[%parallel_loop3A_493, %parallel_loop3A_494], %parallel_loop3A_435 {strides = array<i32>} : memref<8x1024xf32, #tpu.memory_space<vmem>>, vector<16xf32>,
        %parallel_loop3A_496 = arith.constant 6 : i32
        %parallel_loop3A_497 = arith.index_cast %parallel_loop3A_496 : i32 to index
        %parallel_loop3A_498 = arith.index_cast %parallel_loop3A_471 : i32 to index
        %parallel_loop3A_499 = tpu.vector_load %arg13[%parallel_loop3A_497, %parallel_loop3A_498] {strides = array<i32>} : memref<8x1024xf32, #tpu.memory_space<vmem>>, vector<16xf32>,
        tpu.vector_store %arg13[%parallel_loop3A_497, %parallel_loop3A_498], %parallel_loop3A_436 {strides = array<i32>} : memref<8x1024xf32, #tpu.memory_space<vmem>>, vector<16xf32>,
        %parallel_loop3A_500 = arith.constant 7 : i32
        %parallel_loop3A_501 = arith.index_cast %parallel_loop3A_500 : i32 to index
        %parallel_loop3A_502 = arith.index_cast %parallel_loop3A_471 : i32 to index
        %parallel_loop3A_503 = tpu.vector_load %arg13[%parallel_loop3A_501, %parallel_loop3A_502] {strides = array<i32>} : memref<8x1024xf32, #tpu.memory_space<vmem>>, vector<16xf32>,
        tpu.vector_store %arg13[%parallel_loop3A_501, %parallel_loop3A_502], %parallel_loop3A_437 {strides = array<i32>} : memref<8x1024xf32, #tpu.memory_space<vmem>>, vector<16xf32>,
        scf.yield %parallel_loop3A_445, %parallel_loop3A_448, %parallel_loop3A_451, %parallel_loop3A_454, %parallel_loop3A_457, %parallel_loop3A_460, %parallel_loop3A_463, %parallel_loop3A_466 : vector<16xf32>, vector<16xf32>, vector<16xf32>, vector<16xf32>, vector<16xf32>, vector<16xf32>, vector<16xf32>, vector<16xf32>
      } {sc.loop_unroll_factor = 1 : i64, sc.parallel_access}
      %multiple_of3A_381 = arith.constant 1008 : i32
      %multiple_of3A_382 = tpu.assume_multiple %multiple_of3A_381, 16 : i32
      %swap3A_383 = arith.constant 0 : i32
      %swap3A_384 = arith.index_cast %swap3A_383 : i32 to index
      %swap3A_385 = arith.index_cast %multiple_of3A_382 : i32 to index
      %swap3A_386 = tpu.vector_load %arg13[%swap3A_384, %swap3A_385] {strides = array<i32>} : memref<8x1024xf32, #tpu.memory_space<vmem>>, vector<16xf32>,
      tpu.vector_store %arg13[%swap3A_384, %swap3A_385], %parallel_loop3A_380#0 {strides = array<i32>} : memref<8x1024xf32, #tpu.memory_space<vmem>>, vector<16xf32>,
      %swap3A_387 = arith.constant 1 : i32
      %swap3A_388 = arith.index_cast %swap3A_387 : i32 to index
      %swap3A_389 = arith.index_cast %multiple_of3A_382 : i32 to index
      %swap3A_390 = tpu.vector_load %arg13[%swap3A_388, %swap3A_389] {strides = array<i32>} : memref<8x1024xf32, #tpu.memory_space<vmem>>, vector<16xf32>,
      tpu.vector_store %arg13[%swap3A_388, %swap3A_389], %parallel_loop3A_380#1 {strides = array<i32>} : memref<8x1024xf32, #tpu.memory_space<vmem>>, vector<16xf32>,
      %swap3A_391 = arith.constant 2 : i32
      %swap3A_392 = arith.index_cast %swap3A_391 : i32 to index
      %swap3A_393 = arith.index_cast %multiple_of3A_382 : i32 to index
      %swap3A_394 = tpu.vector_load %arg13[%swap3A_392, %swap3A_393] {strides = array<i32>} : memref<8x1024xf32, #tpu.memory_space<vmem>>, vector<16xf32>,
      tpu.vector_store %arg13[%swap3A_392, %swap3A_393], %parallel_loop3A_380#2 {strides = array<i32>} : memref<8x1024xf32, #tpu.memory_space<vmem>>, vector<16xf32>,
      %swap3A_395 = arith.constant 3 : i32
      %swap3A_396 = arith.index_cast %swap3A_395 : i32 to index
      %swap3A_397 = arith.index_cast %multiple_of3A_382 : i32 to index
      %swap3A_398 = tpu.vector_load %arg13[%swap3A_396, %swap3A_397] {strides = array<i32>} : memref<8x1024xf32, #tpu.memory_space<vmem>>, vector<16xf32>,
      tpu.vector_store %arg13[%swap3A_396, %swap3A_397], %parallel_loop3A_380#3 {strides = array<i32>} : memref<8x1024xf32, #tpu.memory_space<vmem>>, vector<16xf32>,
      %swap3A_399 = arith.constant 4 : i32
      %swap3A_400 = arith.index_cast %swap3A_399 : i32 to index
      %swap3A_401 = arith.index_cast %multiple_of3A_382 : i32 to index
      %swap3A_402 = tpu.vector_load %arg13[%swap3A_400, %swap3A_401] {strides = array<i32>} : memref<8x1024xf32, #tpu.memory_space<vmem>>, vector<16xf32>,
      tpu.vector_store %arg13[%swap3A_400, %swap3A_401], %parallel_loop3A_380#4 {strides = array<i32>} : memref<8x1024xf32, #tpu.memory_space<vmem>>, vector<16xf32>,
      %swap3A_403 = arith.constant 5 : i32
      %swap3A_404 = arith.index_cast %swap3A_403 : i32 to index
      %swap3A_405 = arith.index_cast %multiple_of3A_382 : i32 to index
      %swap3A_406 = tpu.vector_load %arg13[%swap3A_404, %swap3A_405] {strides = array<i32>} : memref<8x1024xf32, #tpu.memory_space<vmem>>, vector<16xf32>,
      tpu.vector_store %arg13[%swap3A_404, %swap3A_405], %parallel_loop3A_380#5 {strides = array<i32>} : memref<8x1024xf32, #tpu.memory_space<vmem>>, vector<16xf32>,
      %swap3A_407 = arith.constant 6 : i32
      %swap3A_408 = arith.index_cast %swap3A_407 : i32 to index
      %swap3A_409 = arith.index_cast %multiple_of3A_382 : i32 to index
      %swap3A_410 = tpu.vector_load %arg13[%swap3A_408, %swap3A_409] {strides = array<i32>} : memref<8x1024xf32, #tpu.memory_space<vmem>>, vector<16xf32>,
      tpu.vector_store %arg13[%swap3A_408, %swap3A_409], %parallel_loop3A_380#6 {strides = array<i32>} : memref<8x1024xf32, #tpu.memory_space<vmem>>, vector<16xf32>,
      %swap3A_411 = arith.constant 7 : i32
      %swap3A_412 = arith.index_cast %swap3A_411 : i32 to index
      %swap3A_413 = arith.index_cast %multiple_of3A_382 : i32 to index
      %swap3A_414 = tpu.vector_load %arg13[%swap3A_412, %swap3A_413] {strides = array<i32>} : memref<8x1024xf32, #tpu.memory_space<vmem>>, vector<16xf32>,
      tpu.vector_store %arg13[%swap3A_412, %swap3A_413], %parallel_loop3A_380#7 {strides = array<i32>} : memref<8x1024xf32, #tpu.memory_space<vmem>>, vector<16xf32>,
      %mul3A_415 = arith.constant 8 : i32
      %mul3A_416 = arith.muli %add3A_336, %mul3A_415 : i32
      %add3A_417 = arith.addi %mul3A_2, %mul3A_416 : i32
      %dma_start3A_418 = arith.constant 0 : i32
      %dma_start3A_419 = tpu.memref_slice %arg4[%add3A_417, %dma_start3A_418] : memref<16384x1024xf32, #tpu.memory_space<hbm>> -> memref<8x1024xf32, #tpu.memory_space<hbm>>
      %dma_start3A_420 = arith.constant 0 : i32
      %dma_start3A_421 = tpu.memref_slice %arg4[%add3A_417, %dma_start3A_420] : memref<16384x1024xf32, #tpu.memory_space<hbm>> -> memref<8x1024xf32, #tpu.memory_space<hbm>>
      tpu.enqueue_dma source(%arg13 : memref<8x1024xf32, #tpu.memory_space<vmem>>) target(%dma_start3A_421 : memref<8x1024xf32, #tpu.memory_space<hbm>>) target_semaphore(%arg21 : memref<!tpu.dma_semaphore, #tpu.memory_space<semaphore_mem>>)
      %add3A_422 = arith.constant 4 : i32
      %add3A_423 = arith.addi %add3A_336, %add3A_422 : i32
      %lt3A_424 = arith.constant 64 : i32
      %lt3A_425 = arith.cmpi slt, %add3A_423, %lt3A_424 : i32
      %convert_element_type3A_426 = arith.extui %lt3A_425 : i1 to i32
      %cond3A_427 = arith.constant 0 : i32
      %cond3A_428 = arith.cmpi ne, %convert_element_type3A_426, %cond3A_427 : i32
      scf.if %cond3A_428 {
        %add3A_429 = arith.constant 4 : i32
        %add3A_430 = arith.addi %add3A_336, %add3A_429 : i32
        %mul3A_431 = arith.constant 8 : i32
        %mul3A_432 = arith.muli %add3A_430, %mul3A_431 : i32
        %add3A_433 = arith.addi %mul3A_2, %mul3A_432 : i32
        %dma_start3A_434 = arith.constant 0 : i32
        %dma_start3A_435 = tpu.memref_slice %arg2[%add3A_433, %dma_start3A_434] : memref<16384x1024xf32, #tpu.memory_space<hbm>> -> memref<8x1024xf32, #tpu.memory_space<hbm>>
        %dma_start3A_436 = arith.constant 0 : i32
        %dma_start3A_437 = tpu.memref_slice %arg2[%add3A_433, %dma_start3A_436] : memref<16384x1024xf32, #tpu.memory_space<hbm>> -> memref<8x1024xf32, #tpu.memory_space<hbm>>
        tpu.enqueue_dma source(%dma_start3A_437 : memref<8x1024xf32, #tpu.memory_space<hbm>>) target(%arg9 : memref<8x1024xf32, #tpu.memory_space<vmem>>) target_semaphore(%arg17 : memref<!tpu.dma_semaphore, #tpu.memory_space<semaphore_mem>>)
      } else {
      }
    }
    %scan3A_30 = arith.constant 16 : i32
    %add3A_31 = arith.constant 480 : i32
    %add3A_32 = arith.addi %mul3A_2, %add3A_31 : i32
    %dma_wait3A = arith.constant 0 : i32
    %dma_wait3A_33 = tpu.memref_slice %arg4[%add3A_32, %dma_wait3A] : memref<16384x1024xf32, #tpu.memory_space<hbm>> -> memref<8x1024xf32, #tpu.memory_space<hbm>>
    %dma_wait3A_34 = arith.constant 0 : i32
    %dma_wait3A_35 = tpu.memref_slice %arg4[%add3A_32, %dma_wait3A_34] : memref<16384x1024xf32, #tpu.memory_space<hbm>> -> memref<8x1024xf32, #tpu.memory_space<hbm>>
    tpu.wait_dma2 semaphore(%arg18 : memref<!tpu.dma_semaphore, #tpu.memory_space<semaphore_mem>>) src(%arg10 : memref<8x1024xf32, #tpu.memory_space<vmem>>) dst(%dma_wait3A_35 : memref<8x1024xf32, #tpu.memory_space<hbm>>)
    %add3A_36 = arith.constant 488 : i32
    %add3A_37 = arith.addi %mul3A_2, %add3A_36 : i32
    %dma_wait3A_38 = arith.constant 0 : i32
    %dma_wait3A_39 = tpu.memref_slice %arg4[%add3A_37, %dma_wait3A_38] : memref<16384x1024xf32, #tpu.memory_space<hbm>> -> memref<8x1024xf32, #tpu.memory_space<hbm>>
    %dma_wait3A_40 = arith.constant 0 : i32
    %dma_wait3A_41 = tpu.memref_slice %arg4[%add3A_37, %dma_wait3A_40] : memref<16384x1024xf32, #tpu.memory_space<hbm>> -> memref<8x1024xf32, #tpu.memory_space<hbm>>
    tpu.wait_dma2 semaphore(%arg19 : memref<!tpu.dma_semaphore, #tpu.memory_space<semaphore_mem>>) src(%arg11 : memref<8x1024xf32, #tpu.memory_space<vmem>>) dst(%dma_wait3A_41 : memref<8x1024xf32, #tpu.memory_space<hbm>>)
    %add3A_42 = arith.constant 496 : i32
    %add3A_43 = arith.addi %mul3A_2, %add3A_42 : i32
    %dma_wait3A_44 = arith.constant 0 : i32
    %dma_wait3A_45 = tpu.memref_slice %arg4[%add3A_43, %dma_wait3A_44] : memref<16384x1024xf32, #tpu.memory_space<hbm>> -> memref<8x1024xf32, #tpu.memory_space<hbm>>
    %dma_wait3A_46 = arith.constant 0 : i32
    %dma_wait3A_47 = tpu.memref_slice %arg4[%add3A_43, %dma_wait3A_46] : memref<16384x1024xf32, #tpu.memory_space<hbm>> -> memref<8x1024xf32, #tpu.memory_space<hbm>>
    tpu.wait_dma2 semaphore(%arg20 : memref<!tpu.dma_semaphore, #tpu.memory_space<semaphore_mem>>) src(%arg12 : memref<8x1024xf32, #tpu.memory_space<vmem>>) dst(%dma_wait3A_47 : memref<8x1024xf32, #tpu.memory_space<hbm>>)
    %add3A_48 = arith.constant 504 : i32
    %add3A_49 = arith.addi %mul3A_2, %add3A_48 : i32
    %dma_wait3A_50 = arith.constant 0 : i32
    %dma_wait3A_51 = tpu.memref_slice %arg4[%add3A_49, %dma_wait3A_50] : memref<16384x1024xf32, #tpu.memory_space<hbm>> -> memref<8x1024xf32, #tpu.memory_space<hbm>>
    %dma_wait3A_52 = arith.constant 0 : i32
    %dma_wait3A_53 = tpu.memref_slice %arg4[%add3A_49, %dma_wait3A_52] : memref<16384x1024xf32, #tpu.memory_space<hbm>> -> memref<8x1024xf32, #tpu.memory_space<hbm>>
    tpu.wait_dma2 semaphore(%arg21 : memref<!tpu.dma_semaphore, #tpu.memory_space<semaphore_mem>>) src(%arg13 : memref<8x1024xf32, #tpu.memory_space<vmem>>) dst(%dma_wait3A_53 : memref<8x1024xf32, #tpu.memory_space<hbm>>)
    return
  }
}

</mosaic_0001>

<sc_bundles>
// kernel: kernel.3.cloned.1.call-start
scs
__scs_entry_jumppad:
0x0: {  	(pc) =	sbr.rel $0x88, $3  }
0x1: {  	(tag) =	ssettag $0x0;
	lr =	simm.s32 $0x1  }
0x2: {  	[smem:$0x3F9F] =	sst lr;
	_ =	strace $0xD0000000  }
0x3: {  	_ = 	snop  }
0x4: {  	_ = 	snop  }
0x5: {  	_ = 	snop  }
0x6: {  	_ = 	snop  }
0x7: {  	_ = 	snop  }
__scs_overlays_trampoline_lowered:
0x8: {  	[smem:$0x3FAE] =	sst s0  }
0x9: {  	[smem:$0x3FAF] =	sst s1  }
0xa: {  	[smem:$0x3FB0] =	sst s2  }
0xb: {  	[smem:$0x3FB1] =	sst s3  }
0xc: {  	[smem:$0x3FB2] =	sst s4  }
0xd: {  	[smem:$0x3FB3] =	sst s5  }
0xe: {  	[smem:$0x3FB4] =	sst s6  }
0xf: {  	[smem:$0x3FB5] =	sst s7  }
0x10: {  	[smem:$0x3FB6] =	sst s8  }
0x11: {  	[smem:$0x3FB7] =	sst s9;
	s0 =	simm.s32 @!p0 $0x0  }
0x12: {  	s1 =	sld [smem:$0x3F9D];
	s0 =	simm.s32 @p0 $0x1  }
0x13: {  	[smem:$0x3FB8] =	sst s0;
	s0 =	simm.s32 @!p1 $0x0  }
0x14: {  	s2 =	sld [smem:$0x3F9C];
	s0 =	simm.s32 @p1 $0x1  }
0x15: {  	[smem:$0x3FB9] =	sst s0;
	s0 =	simm.s32 @!p2 $0x0  }
0x16: {  	s3 =	sld [smem:$0x3FDB];
	s0 =	simm.s32 @p2 $0x1  }
0x17: {  	s4 =	simm.s32 $0x1BF5;
	[smem:$0x3FBB] =	sst s0  }
0x18: {  	s0 =	sld [smem:$0x3F9E];
	_ =	swait.ge [sflag:s4], $0x0  }
0x19: {  	s7 =	sld [smem:$0x3F9F]  }
0x1a: {  	s8 =	sadd.s32 $0xFFFFE003, lr  }
0x1b: {  	s9 =	sadd.s32 $0xFFFFFEF7, lr;
	s5 =	simm.s32 $0xFFFFFFFF;
	p2 =	slt.u32 s8, $0xFFFFF086  }
0x1c: {  	p1 =	slt.u32 s9, $0xF7A;
	s5 =	simm.s32 @!p2 $0x0  }
0x1d: {  	s5 =	simm.s32 @p1 $0x1;
	p0 =	seq.s32 s7, s2  }
0x1e: {  	s7 =	smul.u32 @!p0 $0xF7A, s2;
	p2 =	seq.s32 @!p0 s5, $0x0  }
0x1f: {  	s9 =	smul.u32 $0xF7A, s1;
	s8 =	simm.s32 @!p0 $0x1BF5;
	p2 =	por !p2, p0  }
0x20: {  	[sflag:s8] =	ssyncset.s32 @!p0 $0xFFFFF086;
	s6 =	sadd.s32 @!p0 s3, s7;
	s7 =	simm.s32 @!p0 $0x108  }
0x21: {  	s3 =	sadd.s32 s3, s9;
	s6 =	sadd.s32 @!p0 $0x88, s6;
	s7 =	simm.s32 @p2 $0x1082  }
0x22: {  	[simem:s7], [sflag:s8] =	dma.local @!p0 [hbm:s6], $0xF7A  }
0x23: {  	s9 =	sor.u32 $0xD0000000, s2;
	s6 =	simm.s32 $0x108;
	_ =	swait.ge @!p0 [sflag:s8], $0x0  }
0x24: {  	s3 =	sadd.s32 $0x88, s3;
	s6 =	simm.s32 @!p1 $0x1082;
	[sflag:s4] =	ssyncset.s32 $0xFFFFF086  }
0x25: {  	[simem:s6], [sflag:s4] =	dma.local [hbm:s3], $0xF7A  }
0x26: {  	[smem:$0x3F9F] =	sst s1;
	(tag) =	ssettag s2;
	_ =	strace s9  }
0x27: {  	s1 =	sld [smem:$0x3FAF]  }
0x28: {  	s2 =	sld [smem:$0x3FB0]  }
0x29: {  	s4 =	sld [smem:$0x3FB2]  }
0x2a: {  	p0 =	seq.s32 s5, $0x0;
	s5 =	sld [smem:$0x3FB3]  }
0x2b: {  	s6 =	sld [smem:$0x3FB4]  }
0x2c: {  	s7 =	sld [smem:$0x3FB5]  }
0x2d: {  	s3 =	simm.s32 $0x108;
	s8 =	sld [smem:$0x3FB6]  }
0x2e: {  	s3 =	simm.s32 @!p0 $0x1082;
	s9 =	sld [smem:$0x3FB7]  }
0x2f: {  	lr =	sadd.s32 s0, s3;
	s0 =	sld [smem:$0x3FAE]  }
0x30: {  	s3 =	sld [smem:$0x3FB1]  }
0x31: {  	[smem:$0x3FBA] =	sst s10  }
0x32: {  	s10 =	sld [smem:$0x3FB8];
	_ =	sdelay $0x3  }
0x33: {  	p0 =	seq.s32 s10, $0x1;
	s10 =	sld [smem:$0x3FBA];
	_ =	sdelay $0x3  }
0x34: {  	[smem:$0x3FBA] =	sst s10  }
0x35: {  	s10 =	sld [smem:$0x3FB9];
	_ =	sdelay $0x3  }
0x36: {  	p1 =	seq.s32 s10, $0x1;
	s10 =	sld [smem:$0x3FBA];
	_ =	sdelay $0x3  }
0x37: {  	[smem:$0x3FBA] =	sst s10  }
0x38: {  	s10 =	sld [smem:$0x3FBB]  }
0x39: {  	_ = 	snop;
	(pc) =	sbr.ind lr, $3  }
0x3a: {  	_ = 	snop  }
0x3b: {  	_ = 	snop  }
0x3c: {  	p2 =	seq.s32 s10, $0x1;
	s10 =	sld [smem:$0x3FBA]  }
0x3d: {  	_ =	shalt  }
0x3e: {  	_ =	shalt  }
0x3f: {  	_ =	shalt  }
0x40: {  	_ =	shalt  }
0x41: {  	_ =	shalt  }
0x42: {  	_ =	shalt  }
0x43: {  	_ =	shalt  }
0x44: {  	_ =	shalt  }
0x45: {  	_ =	shalt  }
0x46: {  	_ =	shalt  }
0x47: {  	_ =	shalt  }
0x48: {  	_ =	shalt  }
0x49: {  	_ =	shalt  }
0x4a: {  	_ =	shalt  }
0x4b: {  	_ =	shalt  }
0x4c: {  	_ =	shalt  }
0x4d: {  	_ =	shalt  }
0x4e: {  	_ =	shalt  }
0x4f: {  	_ =	shalt  }
0x50: {  	_ =	shalt  }
0x51: {  	_ =	shalt  }
0x52: {  	_ =	shalt  }
0x53: {  	_ =	shalt  }
0x54: {  	_ =	shalt  }
0x55: {  	_ =	shalt  }
0x56: {  	_ =	shalt  }
0x57: {  	_ =	shalt  }
0x58: {  	_ =	shalt  }
0x59: {  	_ =	shalt  }
0x5a: {  	_ =	shalt  }
0x5b: {  	_ =	shalt  }
0x5c: {  	_ =	shalt  }
0x5d: {  	_ =	shalt  }
0x5e: {  	_ =	shalt  }
0x5f: {  	_ =	shalt  }
0x60: {  	_ =	shalt  }
0x61: {  	_ =	shalt  }
0x62: {  	_ =	shalt  }
0x63: {  	_ =	shalt  }
0x64: {  	_ =	shalt  }
0x65: {  	_ =	shalt  }
0x66: {  	_ =	shalt  }
0x67: {  	_ =	shalt  }
0x68: {  	_ =	shalt  }
0x69: {  	_ =	shalt  }
0x6a: {  	_ =	shalt  }
0x6b: {  	_ =	shalt  }
0x6c: {  	_ =	shalt  }
0x6d: {  	_ =	shalt  }
0x6e: {  	_ =	shalt  }
0x6f: {  	_ =	shalt  }
0x70: {  	_ =	shalt  }
0x71: {  	_ =	shalt  }
0x72: {  	_ =	shalt  }
0x73: {  	_ =	shalt  }
0x74: {  	_ =	shalt  }
0x75: {  	_ =	shalt  }
0x76: {  	_ =	shalt  }
0x77: {  	_ =	shalt  }
0x78: {  	_ =	shalt  }
0x79: {  	_ =	shalt  }
0x7a: {  	_ =	shalt  }
0x7b: {  	_ =	shalt  }
0x7c: {  	_ =	shalt  }
0x7d: {  	_ =	shalt  }
0x7e: {  	_ =	shalt  }
0x7f: {  	_ =	shalt  }
0x80: {  	_ =	shalt  }
0x81: {  	_ =	shalt  }
0x82: {  	_ =	shalt  }
0x83: {  	_ =	shalt  }
0x84: {  	_ =	shalt  }
0x85: {  	_ =	shalt  }
0x86: {  	_ =	shalt  }
0x87: {  	_ =	shalt  }
.Lfunc_end0:
.L_simem_size_0:
called_computation_lowered:
.L_overlay_start_0:
0x88: {  	s2 =	sld [smem:$0x3FD9]  }
0x89: {  	s3 =	sld [smem:$0x3FFE];
	_ =	sdelay $0x1  }
0x8a: {  	s1 =	srdreg.scid  }
0x8b: {  	s0 =	sand.u32 $0x1, s1  }
0x8c: {  	s18 =	sshll.u32 s0, $0xA;
	s2 =	sadd.s32 s3, s2  }
0x8d: {  	s2 =	sadd.s32 s2, s18  }
0x8e: {  	[smem:$0x3FC6] =	sst s2  }
0x8f: {  	_ = 	snop  }
0x90: {  	s2 =	sld [smem:$0x3FC9]  }
0x91: {  	s19 =	sld [smem:$0x3FC8]  }
0x92: {  	s4 =	sld [smem:$0x3FD0];
	(tm) =	ssettm $0x1  }
0x93: {  	s5 =	sld [smem:$0x3FFB];
	_ =	sdelay $0x3  }
0x94: {  	_ =	strace s5  }
0x95: {  	s5 =	sld [smem:$0x3FFC];
	_ =	sdelay $0x3  }
0x96: {  	_ =	strace s5  }
0x97: {  	s5 =	sld [smem:$0x3FFD];
	_ =	sdelay $0x3  }
0x98: {  	_ =	strace s5  }
0x99: {  	_ =	strace $0x8FFFFFFF  }
0x9a: {  	s20 =	sld [smem:$0x3FDB];
	_ =	sdelay $0x1  }
0x9b: {  	s6 =	simm.s32 $_scs_section_size  }
0x9c: {  	s7 =	simm.s32 $_size__tile_overlayer_lowered;
	s8 =	simm.s32 $_tile_overlayer_lowered  }
0x9d: {  	s23 =	simm.s32 $0x1BFF;
	s22 =	sshll.u32 s8, $0x1;
	s5 =	sadd.s32 s6, s20  }
0x9e: {  	s9 =	simm.s32 $0x0;
	s21 =	sshll.u32 s7, $0x1;
	s7 =	sadd.s32 s22, s5  }
0x9f: {  	[timem:s9], [sflag:s23] =	dma.local [hbm:s7], s21  }
0xa0: {  	_ =	swait.ge [sflag:s23], s21  }
0xa1: {  	s6 =	ssub.s32 $0x0, s21;
	[sflag:s23] =	ssyncset.done $0x0  }
0xa2: {  	[sflag:s23] =	ssyncadd.s32 s6;
	_ =	sdelay $0x1  }
0xa3: {  	s24 =	simm.s32 $0x1B8B  }
0xa4: {  	_ =	swait.ge [sflag:s24], $0x1  }
0xa5: {  	[sflag:s24] =	ssyncset.done $0x0  }
0xa6: {  	s25 =	simm.s32 $0x1B8E;
	[sflag:s24] =	ssyncadd.s32 $0xFFFFFFFF  }
0xa7: {  	s26 =	simm.s32 $execute0_lowered;
	[smem:$0x3FD2] =	sst s25  }
0xa8: {  	s6 =	sshll.u32 s26, $0x1;
	_ =	strace $0x80000046;
	[dreg:$0x1] =	wrdreg $0xFFFFFFFF  }
0xa9: {  	s28 =	simm.s32 $_size_execute0_lowered;
	s5 =	sadd.s32 s5, s6;
	[dreg:$0x0] =	wrdreg $0x0  }
0xaa: {  	s6 =	sshll.u32 s28, $0x1;
	[dreg:$0x2] =	wrdreg s5  }
0xab: {  	[dreg:$0x3] =	wrdreg s6  }
0xac: {  	[dreg:$0x4] =	wrdreg $0xC0  }
0xad: {  	_ =	task [dreg:s9], $0x5FFFF  }
0xae: {  	[dreg:$0x1] =	wrdreg $0xFFFFFFFF  }
0xaf: {  	[dreg:$0x0] =	wrdreg $0x60  }
0xb0: {  	[dreg:$0x2] =	wrdreg s2  }
0xb1: {  	[dreg:$0x3] =	wrdreg s19  }
0xb2: {  	[dreg:$0x4] =	wrdreg s4  }
0xb3: {  	[dreg:$0x5] =	wrdreg $0x9  }
0xb4: {  	_ =	task.clear_ibuf [dreg:s9], $0x6FFFF;
	_ =	strace $0x90000046  }
0xb5: {  	s29 =	simm.s32 $0x9;
	_ =	strace $0x80000048  }
0xb6: {  	_ =	swait.ge [sflag:s29], $0x1  }
0xb7: {  	[sflag:s29] =	ssyncadd.s32 $0xFFFFFFFF  }
0xb8: {  	_ =	strace $0x90000048  }
0xb9: {  	_ =	sfence  }
0xba: {  	s30 =	sld [smem:$0x0];
	_ =	sdelay $0x2  }
0xbb: {  	s31 =	sshll.u32 s1, $0xD;
	s1 =	sshrl.u32 s1, $0x2  }
0xbc: {  	s3 =	sand.u32 $0x4000, s31;
	s1 =	sadd.s32 s1, s30  }
0xbd: {  	s0 =	sor.u32 s3, s0;
	s1 =	sshll.u32 s1, $0x11  }
0xbe: {  	s0 =	sor.u32 s1, s0  }
0xbf: {  	s0 =	sadd.s32 $0x8F2B, s0  }
0xc0: {  	[sflag:s0] =	ssyncadd.remote.s32 $0x1  }
0xc1: {  	_ =	sfence.sel $0xFFFF  }
0xc2: {  	[dreg:$0x0] =	wrdreg $0xFFFFFFFF;
	(pc) =	sbr.abs _section_cstart, $3  }
0xc3: {  	[dreg:$0x1] =	wrdreg $0xFFFFFFFF  }
0xc4: {  	_ =	task.clear_ibuf [dreg:s9], $0x2FFFF;
	_ =	strace $0x9FFFFFFF  }
0xc5: {  	(tm) =	ssettm $0x7FFFFFFF  }
tec
execute0_lowered:
.L_overlay_start_1:
0x0: {  	(tag) =	ssettag $0x1  }
0x1: {  	s1 =	rddreg [dreg:$0x0]  }
0x2: {  	s0 =	srdreg.scid;
	s2 =	stileid.u32  }
0x3: {  	s4 =	rddreg [dreg:$0x2];
	s6 =	simm.s32 $0x0;
	s18 =	simm.s32 $0x400  }
0x4: {  	s19 =	simm.s32 $0x2400;
	s20 =	simm.s32 $0x4400;
	s0 =	sand.u32 $0x1, s0  }
0x5: {  	s21 =	simm.s32 $0x6400;
	s2 =	sshll.u32 s2, $0xA;
	s3 =	sshll.u32 s0, $0x9  }
0x6: {  	s22 =	simm.s32 $0x1;
	s29 =	simm.s32 $0x4;
	s5 =	sor.u32 s3, s2  }
0x7: {  	[smem:$0x7FF] =	sst s6;
	s0 =	ssub.s32 $0x2, s0;
	s2 =	sshll.u32 s5, $0x7  }
0x8: {  	_ =	strace $0x80000047;
	s23 =	sshrl.u32 s0, $0x1;
	s7 =	sadd.s32 s1, s2  }
0x9: {  	s28 =	sshrl.u32 s5, $0x3;
	s2 =	sadd.s32 s4, s2;
	[dreg:$0x4] =	wrdreg s7  }
0xa: {  	s3 =	simm.s32 $0x0;
	s30 =	sor.u32 $0x4, s28;
	[dreg:$0x8] =	wrdreg s2  }
0xb: {  	s0 =	ssub.s32 s0, s23;
	s31 =	sor.u32 $0x7, s28;
	[dreg:$0x9] =	wrdreg s30  }
.Ltmp0:
0xc: {  	s0 =	smax.u32 s0, $0x1;
	[dreg:$0xa] =	wrdreg s31;
	(pc) =	sbr.rel .LBB2_1-.Ltmp0, $4  }
0xd: {  	s12 =	smov.u32 s5;
	s24 =	sadd.s32 $0x400, s7;
	[dreg:$0xb] =	wrdreg s0  }
0xe: {  	s13 =	sor.u32 $0x5, s28;
	s25 =	sadd.s32 $0x800, s7;
	[dreg:$0x5] =	wrdreg s24  }
0xf: {  	s14 =	sor.u32 $0x6, s28;
	s26 =	sadd.s32 $0xC00, s7;
	[dreg:$0x6] =	wrdreg s25  }
0x10: {  	[dreg:$0x7] =	wrdreg s26;
	s24 =	simm.s32 $0x2;
	s26 =	simm.s32 $0x3  }
.LBB2_12:
0x11: {  	s0 =	simm.s32 $0x5  }
0x12: {  	_ =	swait.ge [sflag:s0], $0x2000  }
0x13: {  	[sflag:s0] =	ssyncset.done $0x0  }
0x14: {  	s28 =	simm.s32 $0x6;
	[sflag:s0] =	ssyncadd.s32 $0xFFFFE000  }
0x15: {  	_ =	swait.ge [sflag:s28], $0x2000  }
0x16: {  	[sflag:s28] =	ssyncset.done $0x0  }
0x17: {  	s30 =	simm.s32 $0x7;
	[sflag:s28] =	ssyncadd.s32 $0xFFFFE000  }
0x18: {  	_ =	swait.ge [sflag:s30], $0x2000  }
0x19: {  	[sflag:s30] =	ssyncset.done $0x0  }
0x1a: {  	s2 =	simm.s32 $0x8;
	[sflag:s30] =	ssyncadd.s32 $0xFFFFE000  }
0x1b: {  	_ =	swait.ge [sflag:s2], $0x2000  }
0x1c: {  	s3 =	rddreg [dreg:$0xc]  }
0x1d: {  	s31 =	rddreg [dreg:$0xb];
	s3 =	sadd.s32 $0x1, s3  }
0x1e: {  	p0 =	sne.s32 s3, s31  }
.Ltmp1:
0x1f: {  	_ = 	snop;
	(pc) =	sbr.rel @!p0 .LBB2_13-.Ltmp1, $3  }
0x20: {  	_ =	sdelay $0x1  }
0x21: {  	[sflag:s2] =	ssyncset.done $0x0  }
0x22: {  	[sflag:s2] =	ssyncadd.s32 $0xFFFFE000  }
.LBB2_1:
0x23: {  	[dreg:$0xc] =	wrdreg s3  }
0x24: {  	s0 =	rddreg [dreg:$0x1];
	s23 =	simm.s32 $0x9  }
0x25: {  	[tilespmem:s6], [sflag:$0x9] =	stream.linear.gather [hbm4b:s0+s6], $0x400, $0x38;
	[tilespmem:$0x10400] =	vst v63  }
0x26: {  	_ =	swait.ge [sflag:s23], $0x400  }
0x27: {  	[sflag:s23] =	ssyncset.done $0x0  }
0x28: {  	s25 =	rddreg [dreg:$0x4];
	[sflag:s23] =	ssyncadd.s32 $0xFFFFFC00  }
0x29: {  	[tilespmem:s18], [sflag:$0x1] =	stream.linear.gather [hbm4b:s25+s6], $0x2000, $0x38;
	[tilespmem:$0x10400] =	vst v63  }
0x2a: {  	s28 =	rddreg [dreg:$0x5]  }
0x2b: {  	[tilespmem:s19], [sflag:$0x2] =	stream.linear.gather [hbm4b:s28+s6], $0x2000, $0x38;
	[tilespmem:$0x10400] =	vst v63  }
0x2c: {  	s30 =	rddreg [dreg:$0x6]  }
0x2d: {  	[tilespmem:s20], [sflag:$0x3] =	stream.linear.gather [hbm4b:s30+s6], $0x2000, $0x38;
	[tilespmem:$0x10400] =	vst v63  }
0x2e: {  	s9 =	simm.s32 $0x0;
	s31 =	rddreg [dreg:$0x7]  }
0x2f: {  	[tilespmem:s21], [sflag:$0x4] =	stream.linear.gather [hbm4b:s31+s6], $0x2000, $0x38;
	[tilespmem:$0x10400] =	vst v63  }
.LBB2_2:
0x30: {  	_ =	swait.ge [sflag:s22], $0x2000  }
0x31: {  	p0 =	seq.s32 s9, $0x0;
	[sflag:s22] =	ssyncset.done $0x0  }
0x32: {  	s0 =	simm.s32 @!p0 $0x5;
	[sflag:s22] =	ssyncadd.s32 $0xFFFFE000  }
0x33: {  	_ =	swait.ge @!p0 [sflag:s0], $0x2000  }
0x34: {  	[sflag:s0] =	ssyncset.done @!p0 $0x0  }
0x35: {  	[sflag:s0] =	ssyncadd.s32 @!p0 $0xFFFFE000  }
0x36: {  	v0 =	vld [tilespmem:$0x0];
	_ =	sdelay $0x4  }
0x37: {  	v1 =	vshll.u32 v0, $0x3  }
0x38: {  	v0 =	vand.u32 $0x7F, v0;
	v1 =	vand.u32 $0xFFFFFC00, v1  }
0x39: {  	v0 =	vor.u32 v0, v1  }
0x3a: {  	s25 =	simm.s32 $0x10;
	v1 =	vor.u32 $0x80, v0  }
0x3b: {  	v3 =	vld [tilespmem:s25+$0x0];
	v2 =	vor.u32 $0x100, v0  }
0x3c: {  	s0 =	simm.s32 $0x30;
	v4 =	vor.u32 $0x180, v0  }
0x3d: {  	v22 =	vld [tilespmem:s0+$0x0];
	v9 =	vor.u32 $0x280, v0  }
0x3e: {  	v11 =	vld.idx.msk [tilespmem:v0+s18+$0x0], $0xffff  }
0x3f: {  	v7 =	vor.u32 $0x200, v0;
	v6 =	vld.idx.msk [tilespmem:v1+s18+$0x0], $0xffff  }
0x40: {  	v8 =	vshll.u32 v3, $0x3;
	v2 =	vld.idx.msk [tilespmem:v2+s18+$0x0], $0xffff;
	v1 =	vor.u32 $0x300, v0  }
0x41: {  	v3 =	vand.u32 $0x7F, v3;
	v5 =	vld.idx.msk [tilespmem:v4+s18+$0x0], $0xffff;
	v0 =	vor.u32 $0x380, v0;
	v4 =	vand.u32 $0xFFFFFC00, v8  }
0x42: {  	s30 =	simm.s32 $0x20;
	v23 =	vld.idx.msk [tilespmem:v9+s18+$0x0], $0xffff;
	v10 =	vor.u32 v3, v4  }
0x43: {  	v9 =	vld [tilespmem:s30+$0x0];
	v3 =	vor.u32 $0x380, v10  }
0x44: {  	v8 =	vld.idx.msk [tilespmem:v7+s18+$0x0], $0xffff;
	v12 =	vor.u32 $0x280, v10  }
0x45: {  	v14 =	vor.u32 $0x200, v10;
	v20 =	vld.idx.msk [tilespmem:v1+s18+$0x0], $0xffff  }
0x46: {  	v13 =	vor.u32 $0x300, v10;
	v7 =	vld.idx.msk [tilespmem:v0+s18+$0x0], $0xffff  }
0x47: {  	v16 =	vor.u32 $0x100, v10;
	v4 =	vld.idx.msk [tilespmem:v10+s18+$0x0], $0xffff  }
0x48: {  	v1 =	vor.u32 $0x80, v10;
	v15 =	vshll.u32 v9, $0x3;
	v0 =	vld.idx.msk [tilespmem:v3+s18+$0x0], $0xffff  }
0x49: {  	v9 =	vand.u32 $0x7F, v9;
	v10 =	vor.u32 $0x180, v10;
	v3 =	vld.idx.msk [tilespmem:v12+s18+$0x0], $0xffff;
	v12 =	vand.u32 $0xFFFFFC00, v15  }
0x4a: {  	v15 =	vld.idx.msk [tilespmem:v14+s18+$0x0], $0xffff;
	v12 =	vor.u32 v9, v12  }
0x4b: {  	v9 =	vld.idx.msk [tilespmem:v13+s18+$0x0], $0xffff;
	v21 =	vor.u32 $0x380, v12  }
0x4c: {  	s10 =	sshll.u32 s9, $0x2;
	s2 =	simm.s32 $0x0;
	v13 =	vld.idx.msk [tilespmem:v16+s18+$0x0], $0xffff;
	v24 =	vor.u32 $0x280, v12  }
0x4d: {  	s3 =	simm.s32 $0x10;
	s8 =	sand.u32 $0x70, s2;
	s16 =	sand.u32 $0xFFFFFC00, s2;
	v1 =	vld.idx.msk [tilespmem:v1+s18+$0x0], $0xffff  }
0x4e: {  	s7 =	simm.s32 $0x1;
	s17 =	simm.s32 $0x80;
	s23 =	sor.u32 s8, s16;
	v19 =	vor.u32 $0x80, v12;
	v14 =	vld.idx.msk [tilespmem:v10+s18+$0x0], $0xffff  }
0x4f: {  	s28 =	simm.s32 $0x80;
	s2 =	sand.u32 $0x7, s2;
	s25 =	sand.u32 $0x7, s7;
	[tilespmem:s23+$0x8700] =	vst v20;
	v20 =	vor.u32 $0x300, v12;
	v10 =	vld.idx.msk [tilespmem:v12+s18+$0x0], $0xffff  }
0x50: {  	s16 =	simm.s32 $0x20;
	s2 =	sshll.u32 s2, $0x4;
	s31 =	sshll.u32 s25, $0x4;
	v17 =	vor.u32 $0x100, v12;
	v16 =	vor.u32 $0x180, v12;
	[tilespmem:s23+$0x8400] =	vst v11;
	v11 =	vld.idx.msk [tilespmem:v21+s18+$0x0], $0xffff  }
0x51: {  	s8 =	sadd.s32 $0x0, s2;
	s25 =	simm.s32 $0x30;
	s2 =	sadd.s32 $0x80, s31;
	v18 =	vor.u32 $0x200, v12;
	[tilespmem:s23+$0x8680] =	vst v23;
	v21 =	vand.u32 $0x7F, v22;
	v22 =	vshll.u32 v22, $0x3;
	v12 =	vld.idx.msk [tilespmem:v24+s18+$0x0], $0xffff  }
.LBB2_3:
0x52: {  	s0 =	sadd.s32 $0x10, s0  }
0x53: {  	v22 =	vand.u32 $0xFFFFFC00, v22;
	v23 =	vld.idx.msk [tilespmem:v19+s18+$0x0], $0xffff;
	s17 =	sadd.s32 $0x80, s17;
	s7 =	sadd.s32 $0x1, s7;
	[tilespmem:s23+$0x8600] =	vst v8;
	v8 =	vmov v15;
	s30 =	smov.u32 s25  }
0x54: {  	p1 =	sne.s32 s25, $0x3E0;
	s25 =	sadd.s32 $0x10, s25;
	s31 =	sand.u32 $0x7, s7;
	v21 =	vor.u32 v21, v22;
	v22 =	vld.idx.msk [tilespmem:v20+s18+$0x0], $0xffff;
	[tilespmem:s23+$0x8500] =	vst v2;
	v2 =	vmov v13  }
0x55: {  	s15 =	sor.u32 $0x380, s8;
	s8 =	smov.u32 s2;
	v24 =	vld [tilespmem:s0+$0x0];
	s31 =	sshll.u32 s31, $0x4;
	v19 =	vor.u32 $0x80, v21;
	v25 =	vor.u32 $0x100, v21;
	v26 =	vor.u32 $0x380, v21;
	[tilespmem:s23+$0x8580] =	vst v5;
	v5 =	vmovc v14  }
0x56: {  	v27 =	vor.u32 $0x180, v21;
	v28 =	vor.u32 $0x280, v21;
	s2 =	sadd.s32 s31, s17;
	v15 =	vld.idx.msk [tilespmem:v18+s18+$0x0], $0xffff;
	v18 =	vor.u32 $0x200, v21;
	[tilespmem:s23+$0x8480] =	vst v6  }
.Ltmp2:
0x57: {  	s3 =	sand.u32 $0x70, s3;
	v20 =	vor.u32 $0x300, v21;
	s23 =	sand.u32 $0xFFFFFC00, s28;
	v13 =	vld.idx.msk [tilespmem:v17+s18+$0x0], $0xffff;
	[tilespmem:s15+$0x8400] =	vst v7;
	v17 =	vmovc v25;
	v7 =	vmov v0;
	v0 =	vmov v11;
	(pc) =	sbr.rel @p1 .LBB2_3-.Ltmp2, $4  }
0x58: {  	v6 =	vmov v1;
	s28 =	smov.u32 s17;
	s23 =	sor.u32 s3, s23;
	s3 =	smov.u32 s16;
	v14 =	vld.idx.msk [tilespmem:v16+s18+$0x0], $0xffff;
	v1 =	vmov v23;
	v16 =	vmov v27  }
0x59: {  	s16 =	smov.u32 s30;
	[tilespmem:s23+$0x8400] =	vst v4;
	v4 =	vmov v10;
	v10 =	vld.idx.msk [tilespmem:v21+s18+$0x0], $0xffff  }
0x5a: {  	v11 =	vld.idx.msk [tilespmem:v26+s18+$0x0], $0xffff;
	[tilespmem:s23+$0x8700] =	vst v9;
	v9 =	vmov v22  }
0x5b: {  	v21 =	vand.u32 $0x7F, v24;
	v22 =	vshll.u32 v24, $0x3;
	[tilespmem:s23+$0x8680] =	vst v3;
	v3 =	vmov v12;
	v12 =	vld.idx.msk [tilespmem:v28+s18+$0x0], $0xffff  }
0x5c: {  	_ =	sdelay $0x2  }
0x5d: {  	v22 =	vand.u32 $0xFFFFFC00, v22;
	[tilespmem:s23+$0x8600] =	vst v8  }
0x5e: {  	v19 =	vld.idx.msk [tilespmem:v19+s18+$0x0], $0xffff;
	[tilespmem:s23+$0x8500] =	vst v2;
	v8 =	vor.u32 v21, v22  }
0x5f: {  	v20 =	vld.idx.msk [tilespmem:v20+s18+$0x0], $0xffff;
	[tilespmem:s23+$0x8580] =	vst v5;
	v2 =	vor.u32 $0x380, v8  }
0x60: {  	v18 =	vld.idx.msk [tilespmem:v18+s18+$0x0], $0xffff;
	s0 =	sor.u32 $0x380, s8;
	[tilespmem:s23+$0x8480] =	vst v6;
	s3 =	sand.u32 $0x70, s3;
	s11 =	sand.u32 $0xFFFFFC00, s28;
	v5 =	vor.u32 $0x280, v8  }
0x61: {  	v6 =	vld.idx.msk [tilespmem:v17+s18+$0x0], $0xffff;
	[tilespmem:s0+$0x8400] =	vst v7;
	s15 =	sor.u32 s3, s11;
	v21 =	vor.u32 $0x80, v8  }
0x62: {  	v7 =	vld.idx.msk [tilespmem:v16+s18+$0x0], $0xffff;
	v17 =	vor.u32 $0x300, v8;
	[tilespmem:s15+$0x8400] =	vst v4  }
0x63: {  	v16 =	vor.u32 $0x200, v8;
	[tilespmem:s15+$0x8700] =	vst v9;
	v22 =	vld.idx.msk [tilespmem:v8+s18+$0x0], $0xffff  }
0x64: {  	v4 =	vor.u32 $0x100, v8;
	[tilespmem:s15+$0x8680] =	vst v3;
	v2 =	vld.idx.msk [tilespmem:v2+s18+$0x0], $0xffff  }
0x65: {  	[tilespmem:s15+$0x8600] =	vst v15;
	v8 =	vor.u32 $0x180, v8;
	v5 =	vld.idx.msk [tilespmem:v5+s18+$0x0], $0xffff  }
0x66: {  	[tilespmem:s15+$0x8500] =	vst v13;
	v3 =	vld.idx.msk [tilespmem:v21+s18+$0x0], $0xffff  }
0x67: {  	s23 =	sadd.s32 $0x80, s17;
	[tilespmem:s15+$0x8580] =	vst v14;
	v9 =	vld.idx.msk [tilespmem:v17+s18+$0x0], $0xffff  }
0x68: {  	s2 =	sor.u32 $0x380, s2;
	s25 =	sand.u32 $0x70, s16;
	s5 =	sand.u32 $0xFFFFFC00, s23;
	[tilespmem:s15+$0x8480] =	vst v1;
	v13 =	vld.idx.msk [tilespmem:v16+s18+$0x0], $0xffff  }
0x69: {  	s0 =	sor.u32 s25, s5;
	[tilespmem:s2+$0x8400] =	vst v0;
	v1 =	vld.idx.msk [tilespmem:v4+s18+$0x0], $0xffff  }
0x6a: {  	v0 =	vld.idx.msk [tilespmem:v8+s18+$0x0], $0xffff;
	[tilespmem:s0+$0x8400] =	vst v10  }
0x6b: {  	[tilespmem:s0+$0x8700] =	vst v20  }
0x6c: {  	s11 =	sadd.s32 $0x1, s7;
	[tilespmem:s0+$0x8680] =	vst v12  }
0x6d: {  	s2 =	sand.u32 $0x7, s11;
	[tilespmem:s0+$0x8600] =	vst v18  }
0x6e: {  	s2 =	sshll.u32 s2, $0x4;
	[tilespmem:s0+$0x8500] =	vst v6  }
0x6f: {  	s2 =	sadd.s32 s2, s23;
	[tilespmem:s0+$0x8580] =	vst v7  }
0x70: {  	s2 =	sor.u32 $0x380, s2;
	[tilespmem:s0+$0x8480] =	vst v19  }
0x71: {  	[tilespmem:s2+$0x8400] =	vst v11  }
0x72: {  	[tilespmem:$0xA070] =	vst v22  }
0x73: {  	[tilespmem:$0xA0F0] =	vst v3  }
0x74: {  	[tilespmem:$0xA170] =	vst v1  }
0x75: {  	[tilespmem:$0xA270] =	vst v13  }
0x76: {  	[tilespmem:$0xA2F0] =	vst v5  }
0x77: {  	[tilespmem:$0xA370] =	vst v9  }
0x78: {  	s15 =	sshll.u32 s9, $0xC;
	[tilespmem:$0xA3F0] =	vst v2;
	s2 =	rddreg [dreg:$0x8]  }
0x79: {  	s16 =	simm.s32 $0x8400;
	s0 =	sadd.s32 s15, s2;
	[tilespmem:$0xA1F0] =	vst v0  }
0x7a: {  	[hbm4b:s0+s6] =	stream.linear.scatter [tilespmem:s16], [sflag:$0x5], $0x2000, $0x38;
	[tilespmem:$0x10400] =	vst v63  }
0x7b: {  	p1 =	seq.s32 s9, $0xF;
	s0 =	rddreg [dreg:$0x9]  }
0x7c: {  	s0 =	sadd.s32 @!p1 s10, s0  }
0x7d: {  	s0 =	sshll.u32 @!p1 s0, $0xA  }
0x7e: {  	s0 =	sand.u32 @!p1 $0x1FFFF000, s0  }
0x7f: {  	s3 =	simm.s32 @!p1 $0x400;
	s2 =	simm.s32 @!p1 $0x0;
	s0 =	sadd.s32 @!p1 s1, s0  }
0x80: {  	[tilespmem:s3], [sflag:$0x1] =	stream.linear.gather @!p1 [hbm4b:s0+s2], $0x2000, $0x38;
	[tilespmem:$0x10400] =	vst v63  }
0x81: {  	_ =	swait.ge [sflag:s24], $0x2000  }
0x82: {  	[sflag:s24] =	ssyncset.done $0x0  }
0x83: {  	s0 =	simm.s32 @!p0 $0x6;
	[sflag:s24] =	ssyncadd.s32 $0xFFFFE000  }
0x84: {  	_ =	swait.ge @!p0 [sflag:s0], $0x2000  }
0x85: {  	[sflag:s0] =	ssyncset.done @!p0 $0x0  }
0x86: {  	[sflag:s0] =	ssyncadd.s32 @!p0 $0xFFFFE000  }
0x87: {  	v0 =	vld [tilespmem:$0x0];
	_ =	sdelay $0x4  }
0x88: {  	v1 =	vshll.u32 v0, $0x3  }
0x89: {  	v0 =	vand.u32 $0x7F, v0;
	v1 =	vand.u32 $0xFFFFFC00, v1  }
0x8a: {  	v0 =	vor.u32 v0, v1  }
0x8b: {  	s17 =	simm.s32 $0x10;
	v1 =	vor.u32 $0x80, v0  }
0x8c: {  	v3 =	vld [tilespmem:s17+$0x0];
	v2 =	vor.u32 $0x100, v0  }
0x8d: {  	s3 =	simm.s32 $0x30;
	v4 =	vor.u32 $0x180, v0  }
0x8e: {  	v22 =	vld [tilespmem:s3+$0x0];
	v9 =	vor.u32 $0x280, v0  }
0x8f: {  	v11 =	vld.idx.msk [tilespmem:v0+s19+$0x0], $0xffff  }
0x90: {  	v7 =	vor.u32 $0x200, v0;
	v6 =	vld.idx.msk [tilespmem:v1+s19+$0x0], $0xffff  }
0x91: {  	v8 =	vshll.u32 v3, $0x3;
	v2 =	vld.idx.msk [tilespmem:v2+s19+$0x0], $0xffff;
	v1 =	vor.u32 $0x300, v0  }
0x92: {  	v3 =	vand.u32 $0x7F, v3;
	v5 =	vld.idx.msk [tilespmem:v4+s19+$0x0], $0xffff;
	v0 =	vor.u32 $0x380, v0;
	v4 =	vand.u32 $0xFFFFFC00, v8  }
0x93: {  	s23 =	simm.s32 $0x20;
	v23 =	vld.idx.msk [tilespmem:v9+s19+$0x0], $0xffff;
	v10 =	vor.u32 v3, v4  }
0x94: {  	v9 =	vld [tilespmem:s23+$0x0];
	v3 =	vor.u32 $0x380, v10  }
0x95: {  	v8 =	vld.idx.msk [tilespmem:v7+s19+$0x0], $0xffff;
	v12 =	vor.u32 $0x280, v10  }
0x96: {  	v14 =	vor.u32 $0x200, v10;
	v20 =	vld.idx.msk [tilespmem:v1+s19+$0x0], $0xffff  }
0x97: {  	v13 =	vor.u32 $0x300, v10;
	v7 =	vld.idx.msk [tilespmem:v0+s19+$0x0], $0xffff  }
0x98: {  	v16 =	vor.u32 $0x100, v10;
	v4 =	vld.idx.msk [tilespmem:v10+s19+$0x0], $0xffff  }
0x99: {  	v1 =	vor.u32 $0x80, v10;
	v15 =	vshll.u32 v9, $0x3;
	v0 =	vld.idx.msk [tilespmem:v3+s19+$0x0], $0xffff  }
0x9a: {  	v9 =	vand.u32 $0x7F, v9;
	v10 =	vor.u32 $0x180, v10;
	v3 =	vld.idx.msk [tilespmem:v12+s19+$0x0], $0xffff;
	v12 =	vand.u32 $0xFFFFFC00, v15  }
0x9b: {  	v15 =	vld.idx.msk [tilespmem:v14+s19+$0x0], $0xffff;
	v12 =	vor.u32 v9, v12  }
0x9c: {  	s8 =	simm.s32 $0x10;
	v9 =	vld.idx.msk [tilespmem:v13+s19+$0x0], $0xffff;
	v21 =	vor.u32 $0x380, v12  }
0x9d: {  	s31 =	simm.s32 $0x20;
	s28 =	simm.s32 $0x30;
	s2 =	simm.s32 $0x0;
	v13 =	vld.idx.msk [tilespmem:v16+s19+$0x0], $0xffff;
	v24 =	vor.u32 $0x280, v12  }
0x9e: {  	s25 =	sshll.u32 s9, $0x5;
	s5 =	sand.u32 $0x70, s2;
	s15 =	sand.u32 $0xFFFFFC00, s2;
	v1 =	vld.idx.msk [tilespmem:v1+s19+$0x0], $0xffff  }
0x9f: {  	s16 =	sadd.s32 s25, s12;
	s25 =	sor.u32 s5, s15;
	s17 =	simm.s32 $0x1;
	v19 =	vor.u32 $0x80, v12;
	v14 =	vld.idx.msk [tilespmem:v10+s19+$0x0], $0xffff  }
0xa0: {  	s30 =	simm.s32 $0x80;
	s0 =	sand.u32 $0x7, s2;
	s11 =	sand.u32 $0x7, s17;
	[tilespmem:s25+$0xA700] =	vst v20;
	v20 =	vor.u32 $0x300, v12;
	v10 =	vld.idx.msk [tilespmem:v12+s19+$0x0], $0xffff  }
0xa1: {  	s7 =	sadd.s32 $0x8, s16;
	s0 =	sshll.u32 s0, $0x4;
	s15 =	sshll.u32 s11, $0x4;
	v17 =	vor.u32 $0x100, v12;
	v16 =	vor.u32 $0x180, v12;
	[tilespmem:s25+$0xA400] =	vst v11;
	v11 =	vld.idx.msk [tilespmem:v21+s19+$0x0], $0xffff  }
0xa2: {  	s2 =	simm.s32 $0x80;
	s23 =	sadd.s32 $0x0, s0;
	s0 =	sadd.s32 $0x80, s15;
	v18 =	vor.u32 $0x200, v12;
	[tilespmem:s25+$0xA680] =	vst v23;
	v21 =	vand.u32 $0x7F, v22;
	v22 =	vshll.u32 v22, $0x3;
	v12 =	vld.idx.msk [tilespmem:v24+s19+$0x0], $0xffff  }
.LBB2_5:
0xa3: {  	s3 =	sadd.s32 $0x10, s3  }
0xa4: {  	v22 =	vand.u32 $0xFFFFFC00, v22;
	v23 =	vld.idx.msk [tilespmem:v19+s19+$0x0], $0xffff;
	s2 =	sadd.s32 $0x80, s2;
	s17 =	sadd.s32 $0x1, s17;
	[tilespmem:s25+$0xA600] =	vst v8;
	v8 =	vmov v15;
	s15 =	smov.u32 s28  }
0xa5: {  	p2 =	sne.s32 s28, $0x3E0;
	s28 =	sadd.s32 $0x10, s28;
	s5 =	sand.u32 $0x7, s17;
	v21 =	vor.u32 v21, v22;
	v22 =	vld.idx.msk [tilespmem:v20+s19+$0x0], $0xffff;
	[tilespmem:s25+$0xA500] =	vst v2;
	v2 =	vmov v13  }
0xa6: {  	s11 =	sor.u32 $0x380, s23;
	s23 =	smov.u32 s0;
	v24 =	vld [tilespmem:s3+$0x0];
	s5 =	sshll.u32 s5, $0x4;
	v19 =	vor.u32 $0x80, v21;
	v25 =	vor.u32 $0x100, v21;
	v26 =	vor.u32 $0x380, v21;
	[tilespmem:s25+$0xA580] =	vst v5;
	v5 =	vmovc v14  }
0xa7: {  	v27 =	vor.u32 $0x180, v21;
	v28 =	vor.u32 $0x280, v21;
	s0 =	sadd.s32 s5, s2;
	v15 =	vld.idx.msk [tilespmem:v18+s19+$0x0], $0xffff;
	v18 =	vor.u32 $0x200, v21;
	[tilespmem:s25+$0xA480] =	vst v6  }
.Ltmp3:
0xa8: {  	v20 =	vor.u32 $0x300, v21;
	s5 =	sand.u32 $0x70, s8;
	s8 =	sand.u32 $0xFFFFFC00, s30;
	v13 =	vld.idx.msk [tilespmem:v17+s19+$0x0], $0xffff;
	[tilespmem:s11+$0xA400] =	vst v7;
	v17 =	vmovc v25;
	v7 =	vmov v0;
	v0 =	vmov v11;
	(pc) =	sbr.rel @p2 .LBB2_5-.Ltmp3, $4  }
0xa9: {  	v6 =	vmov v1;
	s30 =	smov.u32 s2;
	s25 =	sor.u32 s5, s8;
	s8 =	smov.u32 s31;
	v14 =	vld.idx.msk [tilespmem:v16+s19+$0x0], $0xffff;
	v1 =	vmov v23;
	v16 =	vmov v27  }
0xaa: {  	s31 =	smov.u32 s15;
	[tilespmem:s25+$0xA400] =	vst v4;
	v4 =	vmov v10;
	v10 =	vld.idx.msk [tilespmem:v21+s19+$0x0], $0xffff  }
0xab: {  	v11 =	vld.idx.msk [tilespmem:v26+s19+$0x0], $0xffff;
	[tilespmem:s25+$0xA700] =	vst v9;
	v9 =	vmov v22  }
0xac: {  	v21 =	vand.u32 $0x7F, v24;
	v22 =	vshll.u32 v24, $0x3;
	[tilespmem:s25+$0xA680] =	vst v3;
	v3 =	vmov v12;
	v12 =	vld.idx.msk [tilespmem:v28+s19+$0x0], $0xffff  }
0xad: {  	_ =	sdelay $0x2  }
0xae: {  	v22 =	vand.u32 $0xFFFFFC00, v22;
	[tilespmem:s25+$0xA600] =	vst v8  }
0xaf: {  	v19 =	vld.idx.msk [tilespmem:v19+s19+$0x0], $0xffff;
	[tilespmem:s25+$0xA500] =	vst v2;
	v8 =	vor.u32 v21, v22  }
0xb0: {  	v20 =	vld.idx.msk [tilespmem:v20+s19+$0x0], $0xffff;
	[tilespmem:s25+$0xA580] =	vst v5;
	v2 =	vor.u32 $0x380, v8  }
0xb1: {  	v18 =	vld.idx.msk [tilespmem:v18+s19+$0x0], $0xffff;
	s3 =	sor.u32 $0x380, s23;
	[tilespmem:s25+$0xA480] =	vst v6;
	s5 =	sand.u32 $0x70, s8;
	s25 =	sand.u32 $0xFFFFFC00, s30;
	v5 =	vor.u32 $0x280, v8  }
0xb2: {  	v6 =	vld.idx.msk [tilespmem:v17+s19+$0x0], $0xffff;
	[tilespmem:s3+$0xA400] =	vst v7;
	s11 =	sor.u32 s5, s25;
	v21 =	vor.u32 $0x80, v8  }
0xb3: {  	v7 =	vld.idx.msk [tilespmem:v16+s19+$0x0], $0xffff;
	v17 =	vor.u32 $0x300, v8;
	[tilespmem:s11+$0xA400] =	vst v4  }
0xb4: {  	v16 =	vor.u32 $0x200, v8;
	[tilespmem:s11+$0xA700] =	vst v9;
	v22 =	vld.idx.msk [tilespmem:v8+s19+$0x0], $0xffff  }
0xb5: {  	v4 =	vor.u32 $0x100, v8;
	[tilespmem:s11+$0xA680] =	vst v3;
	v2 =	vld.idx.msk [tilespmem:v2+s19+$0x0], $0xffff  }
0xb6: {  	[tilespmem:s11+$0xA600] =	vst v15;
	v8 =	vor.u32 $0x180, v8;
	v5 =	vld.idx.msk [tilespmem:v5+s19+$0x0], $0xffff  }
0xb7: {  	[tilespmem:s11+$0xA500] =	vst v13;
	v3 =	vld.idx.msk [tilespmem:v21+s19+$0x0], $0xffff  }
0xb8: {  	s2 =	sadd.s32 $0x80, s2;
	[tilespmem:s11+$0xA580] =	vst v14;
	v9 =	vld.idx.msk [tilespmem:v17+s19+$0x0], $0xffff  }
0xb9: {  	s0 =	sor.u32 $0x380, s0;
	s15 =	sand.u32 $0x70, s31;
	s23 =	sand.u32 $0xFFFFFC00, s2;
	[tilespmem:s11+$0xA480] =	vst v1;
	v13 =	vld.idx.msk [tilespmem:v16+s19+$0x0], $0xffff  }
0xba: {  	s25 =	sor.u32 s15, s23;
	[tilespmem:s0+$0xA400] =	vst v0;
	v1 =	vld.idx.msk [tilespmem:v4+s19+$0x0], $0xffff  }
0xbb: {  	v0 =	vld.idx.msk [tilespmem:v8+s19+$0x0], $0xffff;
	[tilespmem:s25+$0xA400] =	vst v10  }
0xbc: {  	[tilespmem:s25+$0xA700] =	vst v20  }
0xbd: {  	s5 =	sadd.s32 $0x1, s17;
	[tilespmem:s25+$0xA680] =	vst v12  }
0xbe: {  	s3 =	sand.u32 $0x7, s5;
	[tilespmem:s25+$0xA600] =	vst v18  }
0xbf: {  	s3 =	sshll.u32 s3, $0x4;
	[tilespmem:s25+$0xA500] =	vst v6  }
0xc0: {  	s2 =	sadd.s32 s3, s2;
	[tilespmem:s25+$0xA580] =	vst v7  }
0xc1: {  	s2 =	sor.u32 $0x380, s2;
	[tilespmem:s25+$0xA480] =	vst v19  }
0xc2: {  	[tilespmem:s2+$0xA400] =	vst v11  }
0xc3: {  	[tilespmem:$0xC070] =	vst v22  }
0xc4: {  	[tilespmem:$0xC0F0] =	vst v3  }
0xc5: {  	[tilespmem:$0xC170] =	vst v1  }
0xc6: {  	[tilespmem:$0xC270] =	vst v13  }
0xc7: {  	[tilespmem:$0xC2F0] =	vst v5  }
0xc8: {  	[tilespmem:$0xC370] =	vst v9  }
0xc9: {  	s7 =	sshll.u32 s7, $0x7;
	[tilespmem:$0xC3F0] =	vst v2  }
0xca: {  	s8 =	simm.s32 $0xA400;
	s0 =	sadd.s32 s4, s7;
	[tilespmem:$0xC1F0] =	vst v0  }
0xcb: {  	[hbm4b:s0+s6] =	stream.linear.scatter [tilespmem:s8], [sflag:$0x6], $0x2000, $0x38;
	[tilespmem:$0x10400] =	vst v63  }
0xcc: {  	s0 =	sadd.s32 @!p1 s10, s13  }
0xcd: {  	s0 =	sshll.u32 @!p1 s0, $0xA  }
0xce: {  	s3 =	simm.s32 @!p1 $0x2400;
	s2 =	simm.s32 @!p1 $0x0;
	s0 =	sadd.s32 @!p1 s1, s0  }
0xcf: {  	[tilespmem:s3], [sflag:$0x2] =	stream.linear.gather @!p1 [hbm4b:s0+s2], $0x2000, $0x38;
	[tilespmem:$0x10400] =	vst v63  }
0xd0: {  	_ =	swait.ge [sflag:s26], $0x2000  }
0xd1: {  	[sflag:s26] =	ssyncset.done $0x0  }
0xd2: {  	s0 =	simm.s32 @!p0 $0x7;
	[sflag:s26] =	ssyncadd.s32 $0xFFFFE000  }
0xd3: {  	_ =	swait.ge @!p0 [sflag:s0], $0x2000  }
0xd4: {  	[sflag:s0] =	ssyncset.done @!p0 $0x0  }
0xd5: {  	[sflag:s0] =	ssyncadd.s32 @!p0 $0xFFFFE000  }
0xd6: {  	v0 =	vld [tilespmem:$0x0];
	_ =	sdelay $0x4  }
0xd7: {  	v1 =	vshll.u32 v0, $0x3  }
0xd8: {  	v0 =	vand.u32 $0x7F, v0;
	v1 =	vand.u32 $0xFFFFFC00, v1  }
0xd9: {  	v0 =	vor.u32 v0, v1  }
0xda: {  	s11 =	simm.s32 $0x10;
	v1 =	vor.u32 $0x80, v0  }
0xdb: {  	v3 =	vld [tilespmem:s11+$0x0];
	v2 =	vor.u32 $0x100, v0  }
0xdc: {  	s3 =	simm.s32 $0x30;
	v4 =	vor.u32 $0x180, v0  }
0xdd: {  	v22 =	vld [tilespmem:s3+$0x0];
	v9 =	vor.u32 $0x280, v0  }
0xde: {  	v11 =	vld.idx.msk [tilespmem:v0+s20+$0x0], $0xffff  }
0xdf: {  	v7 =	vor.u32 $0x200, v0;
	v6 =	vld.idx.msk [tilespmem:v1+s20+$0x0], $0xffff  }
0xe0: {  	v8 =	vshll.u32 v3, $0x3;
	v2 =	vld.idx.msk [tilespmem:v2+s20+$0x0], $0xffff;
	v1 =	vor.u32 $0x300, v0  }
0xe1: {  	v3 =	vand.u32 $0x7F, v3;
	v5 =	vld.idx.msk [tilespmem:v4+s20+$0x0], $0xffff;
	v0 =	vor.u32 $0x380, v0;
	v4 =	vand.u32 $0xFFFFFC00, v8  }
0xe2: {  	s15 =	simm.s32 $0x20;
	v23 =	vld.idx.msk [tilespmem:v9+s20+$0x0], $0xffff;
	v10 =	vor.u32 v3, v4  }
0xe3: {  	v9 =	vld [tilespmem:s15+$0x0];
	v3 =	vor.u32 $0x380, v10  }
0xe4: {  	v8 =	vld.idx.msk [tilespmem:v7+s20+$0x0], $0xffff;
	v12 =	vor.u32 $0x280, v10  }
0xe5: {  	v14 =	vor.u32 $0x200, v10;
	v20 =	vld.idx.msk [tilespmem:v1+s20+$0x0], $0xffff  }
0xe6: {  	v13 =	vor.u32 $0x300, v10;
	v7 =	vld.idx.msk [tilespmem:v0+s20+$0x0], $0xffff  }
0xe7: {  	v16 =	vor.u32 $0x100, v10;
	v4 =	vld.idx.msk [tilespmem:v10+s20+$0x0], $0xffff  }
0xe8: {  	v1 =	vor.u32 $0x80, v10;
	v15 =	vshll.u32 v9, $0x3;
	v0 =	vld.idx.msk [tilespmem:v3+s20+$0x0], $0xffff  }
0xe9: {  	v9 =	vand.u32 $0x7F, v9;
	v10 =	vor.u32 $0x180, v10;
	v3 =	vld.idx.msk [tilespmem:v12+s20+$0x0], $0xffff;
	v12 =	vand.u32 $0xFFFFFC00, v15  }
0xea: {  	v15 =	vld.idx.msk [tilespmem:v14+s20+$0x0], $0xffff;
	v12 =	vor.u32 v9, v12  }
0xeb: {  	v9 =	vld.idx.msk [tilespmem:v13+s20+$0x0], $0xffff;
	v21 =	vor.u32 $0x380, v12  }
0xec: {  	s31 =	simm.s32 $0x20;
	s17 =	simm.s32 $0x0;
	v13 =	vld.idx.msk [tilespmem:v16+s20+$0x0], $0xffff;
	v24 =	vor.u32 $0x280, v12  }
0xed: {  	s28 =	simm.s32 $0x30;
	s23 =	sand.u32 $0x70, s17;
	s25 =	sand.u32 $0xFFFFFC00, s17;
	v1 =	vld.idx.msk [tilespmem:v1+s20+$0x0], $0xffff  }
0xee: {  	s25 =	sor.u32 s23, s25;
	s0 =	sand.u32 $0x7, s17;
	s17 =	simm.s32 $0x1;
	v19 =	vor.u32 $0x80, v12;
	v14 =	vld.idx.msk [tilespmem:v10+s20+$0x0], $0xffff  }
0xef: {  	s30 =	simm.s32 $0x80;
	s7 =	sadd.s32 $0x10, s16;
	s11 =	sand.u32 $0x7, s17;
	[tilespmem:s25+$0xC700] =	vst v20;
	v20 =	vor.u32 $0x300, v12;
	v10 =	vld.idx.msk [tilespmem:v12+s20+$0x0], $0xffff  }
0xf0: {  	s8 =	simm.s32 $0x10;
	s0 =	sshll.u32 s0, $0x4;
	s15 =	sshll.u32 s11, $0x4;
	v17 =	vor.u32 $0x100, v12;
	v16 =	vor.u32 $0x180, v12;
	[tilespmem:s25+$0xC400] =	vst v11;
	v11 =	vld.idx.msk [tilespmem:v21+s20+$0x0], $0xffff  }
0xf1: {  	s2 =	simm.s32 $0x80;
	s23 =	sadd.s32 $0x0, s0;
	s0 =	sadd.s32 $0x80, s15;
	v18 =	vor.u32 $0x200, v12;
	[tilespmem:s25+$0xC680] =	vst v23;
	v21 =	vand.u32 $0x7F, v22;
	v22 =	vshll.u32 v22, $0x3;
	v12 =	vld.idx.msk [tilespmem:v24+s20+$0x0], $0xffff  }
.LBB2_7:
0xf2: {  	s3 =	sadd.s32 $0x10, s3  }
0xf3: {  	v22 =	vand.u32 $0xFFFFFC00, v22;
	v23 =	vld.idx.msk [tilespmem:v19+s20+$0x0], $0xffff;
	s2 =	sadd.s32 $0x80, s2;
	s17 =	sadd.s32 $0x1, s17;
	[tilespmem:s25+$0xC600] =	vst v8;
	v8 =	vmov v15;
	s5 =	smov.u32 s28  }
0xf4: {  	p2 =	sne.s32 s28, $0x3E0;
	s28 =	sadd.s32 $0x10, s28;
	s11 =	sand.u32 $0x7, s17;
	v21 =	vor.u32 v21, v22;
	v22 =	vld.idx.msk [tilespmem:v20+s20+$0x0], $0xffff;
	[tilespmem:s25+$0xC500] =	vst v2;
	v2 =	vmov v13  }
0xf5: {  	s15 =	sor.u32 $0x380, s23;
	s23 =	smov.u32 s0;
	v24 =	vld [tilespmem:s3+$0x0];
	s11 =	sshll.u32 s11, $0x4;
	v19 =	vor.u32 $0x80, v21;
	v25 =	vor.u32 $0x100, v21;
	v26 =	vor.u32 $0x380, v21;
	[tilespmem:s25+$0xC580] =	vst v5;
	v5 =	vmovc v14  }
0xf6: {  	v27 =	vor.u32 $0x180, v21;
	v28 =	vor.u32 $0x280, v21;
	s0 =	sadd.s32 s11, s2;
	v15 =	vld.idx.msk [tilespmem:v18+s20+$0x0], $0xffff;
	v18 =	vor.u32 $0x200, v21;
	[tilespmem:s25+$0xC480] =	vst v6  }
.Ltmp4:
0xf7: {  	s8 =	sand.u32 $0x70, s8;
	v20 =	vor.u32 $0x300, v21;
	s11 =	sand.u32 $0xFFFFFC00, s30;
	v13 =	vld.idx.msk [tilespmem:v17+s20+$0x0], $0xffff;
	[tilespmem:s15+$0xC400] =	vst v7;
	v17 =	vmovc v25;
	v7 =	vmov v0;
	v0 =	vmov v11;
	(pc) =	sbr.rel @p2 .LBB2_7-.Ltmp4, $4  }
0xf8: {  	v6 =	vmov v1;
	s30 =	smov.u32 s2;
	s25 =	sor.u32 s8, s11;
	s8 =	smov.u32 s31;
	v14 =	vld.idx.msk [tilespmem:v16+s20+$0x0], $0xffff;
	v1 =	vmov v23;
	v16 =	vmov v27  }
0xf9: {  	s31 =	smov.u32 s5;
	[tilespmem:s25+$0xC400] =	vst v4;
	v4 =	vmov v10;
	v10 =	vld.idx.msk [tilespmem:v21+s20+$0x0], $0xffff  }
0xfa: {  	v11 =	vld.idx.msk [tilespmem:v26+s20+$0x0], $0xffff;
	[tilespmem:s25+$0xC700] =	vst v9;
	v9 =	vmov v22  }
0xfb: {  	v21 =	vand.u32 $0x7F, v24;
	v22 =	vshll.u32 v24, $0x3;
	[tilespmem:s25+$0xC680] =	vst v3;
	v3 =	vmov v12;
	v12 =	vld.idx.msk [tilespmem:v28+s20+$0x0], $0xffff  }
0xfc: {  	_ =	sdelay $0x2  }
0xfd: {  	v22 =	vand.u32 $0xFFFFFC00, v22;
	[tilespmem:s25+$0xC600] =	vst v8  }
0xfe: {  	v19 =	vld.idx.msk [tilespmem:v19+s20+$0x0], $0xffff;
	[tilespmem:s25+$0xC500] =	vst v2;
	v8 =	vor.u32 v21, v22  }
0xff: {  	v20 =	vld.idx.msk [tilespmem:v20+s20+$0x0], $0xffff;
	[tilespmem:s25+$0xC580] =	vst v5;
	v2 =	vor.u32 $0x380, v8  }
0x100: {  	v18 =	vld.idx.msk [tilespmem:v18+s20+$0x0], $0xffff;
	s3 =	sor.u32 $0x380, s23;
	[tilespmem:s25+$0xC480] =	vst v6;
	s5 =	sand.u32 $0x70, s8;
	s23 =	sand.u32 $0xFFFFFC00, s30;
	v5 =	vor.u32 $0x280, v8  }
0x101: {  	v6 =	vld.idx.msk [tilespmem:v17+s20+$0x0], $0xffff;
	[tilespmem:s3+$0xC400] =	vst v7;
	s25 =	sor.u32 s5, s23;
	v21 =	vor.u32 $0x80, v8  }
0x102: {  	v7 =	vld.idx.msk [tilespmem:v16+s20+$0x0], $0xffff;
	v17 =	vor.u32 $0x300, v8;
	[tilespmem:s25+$0xC400] =	vst v4  }
0x103: {  	v16 =	vor.u32 $0x200, v8;
	[tilespmem:s25+$0xC700] =	vst v9;
	v22 =	vld.idx.msk [tilespmem:v8+s20+$0x0], $0xffff  }
0x104: {  	v4 =	vor.u32 $0x100, v8;
	[tilespmem:s25+$0xC680] =	vst v3;
	v2 =	vld.idx.msk [tilespmem:v2+s20+$0x0], $0xffff  }
0x105: {  	[tilespmem:s25+$0xC600] =	vst v15;
	v8 =	vor.u32 $0x180, v8;
	v5 =	vld.idx.msk [tilespmem:v5+s20+$0x0], $0xffff  }
0x106: {  	[tilespmem:s25+$0xC500] =	vst v13;
	v3 =	vld.idx.msk [tilespmem:v21+s20+$0x0], $0xffff  }
0x107: {  	s2 =	sadd.s32 $0x80, s2;
	[tilespmem:s25+$0xC580] =	vst v14;
	v9 =	vld.idx.msk [tilespmem:v17+s20+$0x0], $0xffff  }
0x108: {  	s0 =	sor.u32 $0x380, s0;
	s5 =	sand.u32 $0x70, s31;
	s8 =	sand.u32 $0xFFFFFC00, s2;
	[tilespmem:s25+$0xC480] =	vst v1;
	v13 =	vld.idx.msk [tilespmem:v16+s20+$0x0], $0xffff  }
0x109: {  	s11 =	sor.u32 s5, s8;
	[tilespmem:s0+$0xC400] =	vst v0;
	v1 =	vld.idx.msk [tilespmem:v4+s20+$0x0], $0xffff  }
0x10a: {  	v0 =	vld.idx.msk [tilespmem:v8+s20+$0x0], $0xffff;
	[tilespmem:s11+$0xC400] =	vst v10  }
0x10b: {  	[tilespmem:s11+$0xC700] =	vst v20  }
0x10c: {  	s15 =	sadd.s32 $0x1, s17;
	[tilespmem:s11+$0xC680] =	vst v12  }
0x10d: {  	s3 =	sand.u32 $0x7, s15;
	[tilespmem:s11+$0xC600] =	vst v18  }
0x10e: {  	s3 =	sshll.u32 s3, $0x4;
	[tilespmem:s11+$0xC500] =	vst v6  }
0x10f: {  	s2 =	sadd.s32 s3, s2;
	[tilespmem:s11+$0xC580] =	vst v7  }
0x110: {  	s2 =	sor.u32 $0x380, s2;
	[tilespmem:s11+$0xC480] =	vst v19  }
0x111: {  	[tilespmem:s2+$0xC400] =	vst v11  }
0x112: {  	[tilespmem:$0xE070] =	vst v22  }
0x113: {  	[tilespmem:$0xE0F0] =	vst v3  }
0x114: {  	[tilespmem:$0xE170] =	vst v1  }
0x115: {  	[tilespmem:$0xE270] =	vst v13  }
0x116: {  	[tilespmem:$0xE2F0] =	vst v5  }
0x117: {  	[tilespmem:$0xE370] =	vst v9  }
0x118: {  	s17 =	sshll.u32 s7, $0x7;
	[tilespmem:$0xE3F0] =	vst v2  }
0x119: {  	s23 =	simm.s32 $0xC400;
	s0 =	sadd.s32 s4, s17;
	[tilespmem:$0xE1F0] =	vst v0  }
0x11a: {  	[hbm4b:s0+s6] =	stream.linear.scatter [tilespmem:s23], [sflag:$0x7], $0x2000, $0x38;
	[tilespmem:$0x10400] =	vst v63  }
0x11b: {  	s0 =	sadd.s32 @!p1 s10, s14  }
0x11c: {  	s0 =	sshll.u32 @!p1 s0, $0xA  }
0x11d: {  	s0 =	sand.u32 @!p1 $0x1FFFF800, s0  }
0x11e: {  	s3 =	simm.s32 @!p1 $0x4400;
	s2 =	simm.s32 @!p1 $0x0;
	s0 =	sadd.s32 @!p1 s1, s0  }
0x11f: {  	[tilespmem:s3], [sflag:$0x3] =	stream.linear.gather @!p1 [hbm4b:s0+s2], $0x2000, $0x38;
	[tilespmem:$0x10400] =	vst v63  }
0x120: {  	_ =	swait.ge [sflag:s29], $0x2000  }
0x121: {  	[sflag:s29] =	ssyncset.done $0x0  }
0x122: {  	s0 =	simm.s32 @!p0 $0x8;
	[sflag:s29] =	ssyncadd.s32 $0xFFFFE000  }
0x123: {  	_ =	swait.ge @!p0 [sflag:s0], $0x2000  }
0x124: {  	[sflag:s0] =	ssyncset.done @!p0 $0x0  }
0x125: {  	[sflag:s0] =	ssyncadd.s32 @!p0 $0xFFFFE000  }
0x126: {  	v0 =	vld [tilespmem:$0x0];
	_ =	sdelay $0x4  }
0x127: {  	v1 =	vshll.u32 v0, $0x3  }
0x128: {  	v0 =	vand.u32 $0x7F, v0;
	v1 =	vand.u32 $0xFFFFFC00, v1  }
0x129: {  	v0 =	vor.u32 v0, v1  }
0x12a: {  	s25 =	simm.s32 $0x10;
	v1 =	vor.u32 $0x80, v0  }
0x12b: {  	v3 =	vld [tilespmem:s25+$0x0];
	v2 =	vor.u32 $0x100, v0  }
0x12c: {  	s3 =	simm.s32 $0x30;
	v4 =	vor.u32 $0x180, v0  }
0x12d: {  	v22 =	vld [tilespmem:s3+$0x0];
	v9 =	vor.u32 $0x280, v0  }
0x12e: {  	v11 =	vld.idx.msk [tilespmem:v0+s21+$0x0], $0xffff  }
0x12f: {  	v7 =	vor.u32 $0x200, v0;
	v6 =	vld.idx.msk [tilespmem:v1+s21+$0x0], $0xffff  }
0x130: {  	v8 =	vshll.u32 v3, $0x3;
	v2 =	vld.idx.msk [tilespmem:v2+s21+$0x0], $0xffff;
	v1 =	vor.u32 $0x300, v0  }
0x131: {  	v3 =	vand.u32 $0x7F, v3;
	v5 =	vld.idx.msk [tilespmem:v4+s21+$0x0], $0xffff;
	v0 =	vor.u32 $0x380, v0;
	v4 =	vand.u32 $0xFFFFFC00, v8  }
0x132: {  	s31 =	simm.s32 $0x20;
	v23 =	vld.idx.msk [tilespmem:v9+s21+$0x0], $0xffff;
	v10 =	vor.u32 v3, v4  }
0x133: {  	v9 =	vld [tilespmem:s31+$0x0];
	v3 =	vor.u32 $0x380, v10  }
0x134: {  	v8 =	vld.idx.msk [tilespmem:v7+s21+$0x0], $0xffff;
	v12 =	vor.u32 $0x280, v10  }
0x135: {  	v14 =	vor.u32 $0x200, v10;
	v20 =	vld.idx.msk [tilespmem:v1+s21+$0x0], $0xffff  }
0x136: {  	v13 =	vor.u32 $0x300, v10;
	v7 =	vld.idx.msk [tilespmem:v0+s21+$0x0], $0xffff  }
0x137: {  	v16 =	vor.u32 $0x100, v10;
	v4 =	vld.idx.msk [tilespmem:v10+s21+$0x0], $0xffff  }
0x138: {  	v1 =	vor.u32 $0x80, v10;
	v15 =	vshll.u32 v9, $0x3;
	v0 =	vld.idx.msk [tilespmem:v3+s21+$0x0], $0xffff  }
0x139: {  	v9 =	vand.u32 $0x7F, v9;
	v10 =	vor.u32 $0x180, v10;
	v3 =	vld.idx.msk [tilespmem:v12+s21+$0x0], $0xffff;
	v12 =	vand.u32 $0xFFFFFC00, v15  }
0x13a: {  	v15 =	vld.idx.msk [tilespmem:v14+s21+$0x0], $0xffff;
	v12 =	vor.u32 v9, v12  }
0x13b: {  	v9 =	vld.idx.msk [tilespmem:v13+s21+$0x0], $0xffff;
	v21 =	vor.u32 $0x380, v12  }
0x13c: {  	s7 =	sadd.s32 $0x18, s16;
	s2 =	simm.s32 $0x0;
	v13 =	vld.idx.msk [tilespmem:v16+s21+$0x0], $0xffff;
	v24 =	vor.u32 $0x280, v12  }
0x13d: {  	s16 =	simm.s32 $0x1;
	s5 =	sand.u32 $0x70, s2;
	s11 =	sand.u32 $0xFFFFFC00, s2;
	v1 =	vld.idx.msk [tilespmem:v1+s21+$0x0], $0xffff  }
0x13e: {  	s28 =	simm.s32 $0x30;
	s30 =	simm.s32 $0x80;
	s25 =	sor.u32 s5, s11;
	v19 =	vor.u32 $0x80, v12;
	v14 =	vld.idx.msk [tilespmem:v10+s21+$0x0], $0xffff  }
0x13f: {  	s15 =	sand.u32 $0x7, s16;
	s8 =	simm.s32 $0x10;
	s0 =	sand.u32 $0x7, s2;
	[tilespmem:s25+$0xE700] =	vst v20;
	v20 =	vor.u32 $0x300, v12;
	v10 =	vld.idx.msk [tilespmem:v12+s21+$0x0], $0xffff  }
0x140: {  	s17 =	simm.s32 $0x20;
	s0 =	sshll.u32 s0, $0x4;
	s31 =	sshll.u32 s15, $0x4;
	v17 =	vor.u32 $0x100, v12;
	v16 =	vor.u32 $0x180, v12;
	[tilespmem:s25+$0xE400] =	vst v11;
	v11 =	vld.idx.msk [tilespmem:v21+s21+$0x0], $0xffff  }
0x141: {  	s2 =	simm.s32 $0x80;
	s23 =	sadd.s32 $0x0, s0;
	s0 =	sadd.s32 $0x80, s31;
	v18 =	vor.u32 $0x200, v12;
	[tilespmem:s25+$0xE680] =	vst v23;
	v21 =	vand.u32 $0x7F, v22;
	v22 =	vshll.u32 v22, $0x3;
	v12 =	vld.idx.msk [tilespmem:v24+s21+$0x0], $0xffff  }
.LBB2_9:
0x142: {  	s3 =	sadd.s32 $0x10, s3  }
0x143: {  	v22 =	vand.u32 $0xFFFFFC00, v22;
	v23 =	vld.idx.msk [tilespmem:v19+s21+$0x0], $0xffff;
	s2 =	sadd.s32 $0x80, s2;
	s16 =	sadd.s32 $0x1, s16;
	[tilespmem:s25+$0xE600] =	vst v8;
	v8 =	vmov v15;
	s5 =	smov.u32 s28  }
0x144: {  	p0 =	sne.s32 s28, $0x3E0;
	s28 =	sadd.s32 $0x10, s28;
	s11 =	sand.u32 $0x7, s16;
	v21 =	vor.u32 v21, v22;
	v22 =	vld.idx.msk [tilespmem:v20+s21+$0x0], $0xffff;
	[tilespmem:s25+$0xE500] =	vst v2;
	v2 =	vmov v13  }
0x145: {  	s15 =	sor.u32 $0x380, s23;
	s23 =	smov.u32 s0;
	v24 =	vld [tilespmem:s3+$0x0];
	s11 =	sshll.u32 s11, $0x4;
	v19 =	vor.u32 $0x80, v21;
	v25 =	vor.u32 $0x100, v21;
	v26 =	vor.u32 $0x380, v21;
	[tilespmem:s25+$0xE580] =	vst v5;
	v5 =	vmovc v14  }
0x146: {  	v27 =	vor.u32 $0x180, v21;
	v28 =	vor.u32 $0x280, v21;
	s0 =	sadd.s32 s11, s2;
	v15 =	vld.idx.msk [tilespmem:v18+s21+$0x0], $0xffff;
	v18 =	vor.u32 $0x200, v21;
	[tilespmem:s25+$0xE480] =	vst v6  }
.Ltmp5:
0x147: {  	s8 =	sand.u32 $0x70, s8;
	v20 =	vor.u32 $0x300, v21;
	s11 =	sand.u32 $0xFFFFFC00, s30;
	v13 =	vld.idx.msk [tilespmem:v17+s21+$0x0], $0xffff;
	[tilespmem:s15+$0xE400] =	vst v7;
	v17 =	vmovc v25;
	v7 =	vmov v0;
	v0 =	vmov v11;
	(pc) =	sbr.rel @p0 .LBB2_9-.Ltmp5, $4  }
0x148: {  	v6 =	vmov v1;
	s30 =	smov.u32 s2;
	s25 =	sor.u32 s8, s11;
	s8 =	smov.u32 s17;
	v14 =	vld.idx.msk [tilespmem:v16+s21+$0x0], $0xffff;
	v1 =	vmov v23;
	v16 =	vmov v27  }
0x149: {  	s17 =	smov.u32 s5;
	[tilespmem:s25+$0xE400] =	vst v4;
	v4 =	vmov v10;
	v10 =	vld.idx.msk [tilespmem:v21+s21+$0x0], $0xffff  }
0x14a: {  	v11 =	vld.idx.msk [tilespmem:v26+s21+$0x0], $0xffff;
	[tilespmem:s25+$0xE700] =	vst v9;
	v9 =	vmov v22  }
0x14b: {  	v21 =	vand.u32 $0x7F, v24;
	v22 =	vshll.u32 v24, $0x3;
	[tilespmem:s25+$0xE680] =	vst v3;
	v3 =	vmov v12;
	v12 =	vld.idx.msk [tilespmem:v28+s21+$0x0], $0xffff  }
0x14c: {  	_ =	sdelay $0x2  }
0x14d: {  	v22 =	vand.u32 $0xFFFFFC00, v22;
	[tilespmem:s25+$0xE600] =	vst v8  }
0x14e: {  	v19 =	vld.idx.msk [tilespmem:v19+s21+$0x0], $0xffff;
	[tilespmem:s25+$0xE500] =	vst v2;
	v51 =	vor.u32 v21, v22  }
0x14f: {  	v20 =	vld.idx.msk [tilespmem:v20+s21+$0x0], $0xffff;
	[tilespmem:s25+$0xE580] =	vst v5;
	v52 =	vor.u32 $0x380, v51  }
0x150: {  	v18 =	vld.idx.msk [tilespmem:v18+s21+$0x0], $0xffff;
	s3 =	sor.u32 $0x380, s23;
	[tilespmem:s25+$0xE480] =	vst v6;
	s5 =	sand.u32 $0x70, s8;
	s11 =	sand.u32 $0xFFFFFC00, s30;
	v53 =	vor.u32 $0x280, v51  }
0x151: {  	v54 =	vld.idx.msk [tilespmem:v17+s21+$0x0], $0xffff;
	[tilespmem:s3+$0xE400] =	vst v7;
	s15 =	sor.u32 s5, s11;
	v21 =	vor.u32 $0x80, v51  }
0x152: {  	v56 =	vld.idx.msk [tilespmem:v16+s21+$0x0], $0xffff;
	v55 =	vor.u32 $0x300, v51;
	[tilespmem:s15+$0xE400] =	vst v4  }
0x153: {  	v57 =	vor.u32 $0x200, v51;
	[tilespmem:s15+$0xE700] =	vst v9;
	v22 =	vld.idx.msk [tilespmem:v51+s21+$0x0], $0xffff  }
0x154: {  	v58 =	vor.u32 $0x100, v51;
	[tilespmem:s15+$0xE680] =	vst v3;
	v2 =	vld.idx.msk [tilespmem:v52+s21+$0x0], $0xffff  }
0x155: {  	v8 =	vor.u32 $0x180, v51;
	[tilespmem:s15+$0xE600] =	vst v15;
	v5 =	vld.idx.msk [tilespmem:v53+s21+$0x0], $0xffff  }
0x156: {  	[tilespmem:s15+$0xE500] =	vst v13;
	v59 =	vld.idx.msk [tilespmem:v21+s21+$0x0], $0xffff  }
0x157: {  	s2 =	sadd.s32 $0x80, s2;
	[tilespmem:s15+$0xE580] =	vst v14;
	v60 =	vld.idx.msk [tilespmem:v55+s21+$0x0], $0xffff  }
0x158: {  	s0 =	sor.u32 $0x380, s0;
	s17 =	sand.u32 $0x70, s17;
	s23 =	sand.u32 $0xFFFFFC00, s2;
	[tilespmem:s15+$0xE480] =	vst v1;
	v61 =	vld.idx.msk [tilespmem:v57+s21+$0x0], $0xffff  }
0x159: {  	s25 =	sor.u32 s17, s23;
	[tilespmem:s0+$0xE400] =	vst v0;
	v62 =	vld.idx.msk [tilespmem:v58+s21+$0x0], $0xffff  }
0x15a: {  	v63 =	vld.idx.msk [tilespmem:v8+s21+$0x0], $0xffff;
	[tilespmem:s25+$0xE400] =	vst v10  }
0x15b: {  	[tilespmem:s25+$0xE700] =	vst v20  }
0x15c: {  	s28 =	sadd.s32 $0x1, s16;
	[tilespmem:s25+$0xE680] =	vst v12  }
0x15d: {  	s3 =	sand.u32 $0x7, s28;
	[tilespmem:s25+$0xE600] =	vst v18  }
0x15e: {  	s3 =	sshll.u32 s3, $0x4;
	[tilespmem:s25+$0xE500] =	vst v54  }
0x15f: {  	s2 =	sadd.s32 s3, s2;
	[tilespmem:s25+$0xE580] =	vst v56  }
0x160: {  	s2 =	sor.u32 $0x380, s2;
	[tilespmem:s25+$0xE480] =	vst v19  }
0x161: {  	[tilespmem:s2+$0xE400] =	vst v11  }
0x162: {  	[tilespmem:$0x10070] =	vst v22  }
0x163: {  	[tilespmem:$0x100F0] =	vst v59  }
0x164: {  	[tilespmem:$0x10170] =	vst v62  }
0x165: {  	[tilespmem:$0x101F0] =	vst v63  }
.Ltmp6:
0x166: {  	[tilespmem:$0x10270] =	vst v61;
	(pc) =	sbr.rel @p1 .LBB2_12-.Ltmp6, $4  }
0x167: {  	[tilespmem:$0x102F0] =	vst v5  }
0x168: {  	s30 =	sshll.u32 s7, $0x7;
	[tilespmem:$0x10370] =	vst v60  }
0x169: {  	s31 =	simm.s32 $0xE400;
	s0 =	sadd.s32 s4, s30;
	[tilespmem:$0x103F0] =	vst v2  }
0x16a: {  	[hbm4b:s0+s6] =	stream.linear.scatter [tilespmem:s31], [sflag:$0x8], $0x2000, $0x38;
	[tilespmem:$0x10400] =	vst v63  }
.Ltmp7:
0x16b: {  	s0 =	rddreg [dreg:$0xa];
	(pc) =	sbr.rel .LBB2_2-.Ltmp7, $4  }
0x16c: {  	s0 =	sadd.s32 s10, s0  }
0x16d: {  	s0 =	sshll.u32 s0, $0xA  }
0x16e: {  	s9 =	sadd.s32 $0x1, s9;
	s0 =	sadd.s32 s1, s0  }
0x16f: {  	[tilespmem:s21], [sflag:$0x4] =	stream.linear.gather [hbm4b:s0+s6], $0x2000, $0x38;
	[tilespmem:$0x10400] =	vst v63  }
.LBB2_13:
0x170: {  	_ =	sfence.sel $0x180000  }
0x171: {  	[bflag:$0x0] =	sbarrier.arrive $0xFFFF  }
0x172: {  	_ =	strace $0x90000047  }
0x173: {  	s0 =	stileid.u32;
	[bflag:$0x2] =	sbarrier.arrive $0xFFFF  }
0x174: {  	p0 =	sne.s32 s0, $0x0;
	s0 =	rddreg [dreg:$0x3]  }
0x175: {  	s0 =	sadd.s32 @!p0 $0x100000, s0  }
0x176: {  	[sflag:s0] =	ssyncadd.tile.s32 @!p0 $0x1;
	_ =	shalt  }
.Lfunc_end2:
_tile_overlayer_lowered:
.L_overlay_start_2:
0x177: {  	(tag) =	ssettag $0x2  }
0x178: {  	s0 =	rddreg [dreg:$0x0];
	s2 =	stileid.u32  }
0x179: {  	s1 =	rddreg [dreg:$0x1];
	p0 =	sne.s32 s2, $0x0  }
0x17a: {  	s3 =	rddreg [dreg:$0x2];
	[bflag:$0x3] =	sbarrier.arrive $0xFFFF;
	s2 =	simm.s32 @!p0 $0x1C09  }
0x17b: {  	[timem:s3], [sflag:s2] =	dma.local @!p0 [hbm:s0], s1  }
0x17c: {  	s0 =	simm.s32 @!p0 $0x9  }
0x17d: {  	_ =	swait.ge @!p0 [sflag:s0], s1  }
0x17e: {  	s1 =	ssub.s32 @!p0 $0x0, s1;
	[sflag:s0] =	ssyncset.done @!p0 $0x0  }
0x17f: {  	[sflag:s0] =	ssyncadd.s32 @!p0 s1  }
0x180: {  	[bflag:$0x3] =	sbarrier.arrive $0xFFFF  }
0x181: {  	_ =	shalt  }

</sc_bundles>
